<compile_context>
chip_gen: v7x
topology: tpu7x:2x2x1
jax: 0.10.2.dev20260603
libtpu: 0.0.44.dev20260713+nightly
codegen_flags: <defaults>
</compile_context>

<pallas_src>
import functools

import jax
import jax.numpy as jnp
from jax import lax
from jax.experimental import pallas as pl
from jax.experimental.pallas import tpu as pltpu
from jax.experimental.pallas import tpu_sc as plsc

RADIUS2 = 0.2 * 0.2
MAXS = 32
LANES = 16
NWORKERS = 32
UNROLL = 4


def _bf16_round(x):
    u = plsc.bitcast(x, jnp.uint32)
    rnd = (u >> 16) & jnp.uint32(1)
    u = (u + jnp.uint32(0x7FFF) + rnd) & jnp.uint32(0xFFFF0000)
    return plsc.bitcast(u, jnp.float32)


def _ball_body(px_h, py_h, pz_h, cx_h, cy_h, cz_h, out_h,
               px, py, pz, cx, cy, cz, outv, p2s):
    n = px.shape[0]
    m_per_w = cx.shape[0]
    n_chunks = n // LANES

    wid = lax.axis_index("s") * 2 + lax.axis_index("c")
    b = wid // 4

    pltpu.sync_copy(px_h.at[b], px)
    pltpu.sync_copy(py_h.at[b], py)
    pltpu.sync_copy(pz_h.at[b], pz)
    pltpu.sync_copy(cx_h.at[wid], cx)
    pltpu.sync_copy(cy_h.at[wid], cy)
    pltpu.sync_copy(cz_h.at[wid], cz)

    iota = jnp.arange(LANES, dtype=jnp.int32)
    zero = jnp.zeros((LANES,), jnp.int32)
    ones = jnp.ones((LANES,), jnp.int32)

    def prep_chunk(j, _):
        sl = pl.ds(j * LANES, LANES)
        xv, yv, zv = px[sl], py[sl], pz[sl]
        p2s[sl] = (xv * xv + yv * yv) + zv * zv
        px[sl] = _bf16_round(xv)
        py[sl] = _bf16_round(yv)
        pz[sl] = _bf16_round(zv)
        return 0

    lax.fori_loop(0, n_chunks, prep_chunk, 0)

    def per_centroid(i, _):
        rowbase = i * MAXS
        spl_i = lax.broadcast(i, (LANES,))
        cxi = plsc.load_gather(cx, [spl_i])
        cyi = plsc.load_gather(cy, [spl_i])
        czi = plsc.load_gather(cz, [spl_i])
        c2i = (cxi * cxi + cyi * cyi) + czi * czi
        cbx = _bf16_round(cxi)
        cby = _bf16_round(cyi)
        cbz = _bf16_round(czi)

        def scan_cond(state):
            j, cntv, go = state
            return (j < n_chunks) & go

        def scan_body(state):
            j, cntv, _ = state
            go = jnp.squeeze(lax.slice(cntv, (0,), (1,))) < MAXS
            off = j * LANES
            masks = []
            for u in range(UNROLL):
                sl = pl.ds(off + u * LANES, LANES)
                cp = (cbx * px[sl] + cby * py[sl]) + cbz * pz[sl]
                d2 = (c2i + p2s[sl]) - 2.0 * cp
                masks.append(d2 < RADIUS2)
            for u, m1 in enumerate(masks):
                pos = (cntv + plsc.cumsum(ones, mask=m1)) - 1
                wm = m1 & (pos < MAXS)
                plsc.store_scatter(outv, [rowbase + pos],
                                   iota + (off + u * LANES), mask=wm)
                cntv = cntv + plsc.all_reduce_population_count(m1)
            return j + UNROLL, cntv, go

        _, cntv, _ = lax.while_loop(
            scan_cond, scan_body, (jnp.int32(0), zero, jnp.bool_(True)))

        firstv = plsc.load_gather(outv, [lax.broadcast(rowbase, (LANES,))])
        fillv = jnp.where(cntv > 0, firstv, 0)
        for s0 in range(0, MAXS, LANES):
            slots = iota + s0
            plsc.store_scatter(outv, [rowbase + slots], fillv,
                               mask=slots >= cntv)
        return 0

    lax.fori_loop(0, m_per_w, per_centroid, 0)
    pltpu.sync_copy(outv, out_h.at[wid])


def _ball_query_sc(px, py, pz, cx, cy, cz):
    n = px.shape[1]
    m_per_w = cx.shape[1]
    mesh = plsc.VectorSubcoreMesh(core_axis_name="c", subcore_axis_name="s")
    run = pl.kernel(
        _ball_body,
        out_type=jax.ShapeDtypeStruct((NWORKERS, m_per_w * MAXS), jnp.int32),
        mesh=mesh,
        compiler_params=pltpu.CompilerParams(needs_layout_passes=False),
        scratch_types=[
            pltpu.VMEM((n,), jnp.float32),
            pltpu.VMEM((n,), jnp.float32),
            pltpu.VMEM((n,), jnp.float32),
            pltpu.VMEM((m_per_w,), jnp.float32),
            pltpu.VMEM((m_per_w,), jnp.float32),
            pltpu.VMEM((m_per_w,), jnp.float32),
            pltpu.VMEM((m_per_w * MAXS,), jnp.int32),
            pltpu.VMEM((n,), jnp.float32),
        ],
    )
    return run(px, py, pz, cx, cy, cz)


def kernel(pcs, centroids):
    B, N, _ = pcs.shape
    M = centroids.shape[1]
    m_per_w = (B * M) // NWORKERS
    px = pcs[:, :, 0]
    py = pcs[:, :, 1]
    pz = pcs[:, :, 2]
    cx = centroids[:, :, 0].reshape(NWORKERS, m_per_w)
    cy = centroids[:, :, 1].reshape(NWORKERS, m_per_w)
    cz = centroids[:, :, 2].reshape(NWORKERS, m_per_w)
    out = _ball_query_sc(px, py, pz, cx, cy, cz)
    return out.reshape(B, M, MAXS).astype(jnp.int64)

# --- scband reference (transcript-rebuilt; emitter-appended) ---
"""Pipeline reference for scband-ball-point-query-63256278335590 (READ-ONLY COPY).

The authoritative reference and input builder live on the scoring server;
editing this copy changes nothing except your own understanding.
"""

import jax, jax.numpy as jnp
import numpy as np

RADIUS = 0.2
MAX_SAMPLES = 32


def setup_inputs(seed: int = 0) -> dict:
    key = jax.random.key(seed)
    k1, k2 = jax.random.split(key)
    pcs = jax.random.uniform(k1, (8, 4096, 3), dtype=jnp.float32)
    centroids = jax.random.uniform(k2, (8, 1024, 3), dtype=jnp.float32)
    return {"pcs": pcs, "centroids": centroids}


def _ball_query(pcs, centroids, radius, max_samples):
    # pcs: [B, N, 3], centroids: [B, M, 3]
    B, N, _ = pcs.shape
    M = centroids.shape[1]
    # squared pairwise distances [B, M, N] via expansion (avoids 4-D temp)
    c2 = jnp.sum(centroids * centroids, axis=-1)[:, :, None]  # [B, M, 1]
    p2 = jnp.sum(pcs * pcs, axis=-1)[:, None, :]              # [B, 1, N]
    cp = jnp.einsum('bmd,bnd->bmn', centroids, pcs)           # [B, M, N]
    d2 = c2 + p2 - 2.0 * cp
    mask = d2 < (radius * radius)                              # [B, M, N]
    # CUDA ball query semantics: take the first max_samples in-radius point
    # indices in scan order; pad remaining slots with the first found index.
    iota = jnp.arange(N, dtype=jnp.int32)[None, None, :]
    cand = jnp.where(mask, iota, jnp.int32(N))                 # invalid -> N (sorts last)
    sorted_idx = jnp.sort(cand, axis=-1)[..., :max_samples]    # [B, M, S]
    first = sorted_idx[..., :1]
    group_idx = jnp.where(sorted_idx == N, first, sorted_idx)
    # if no point falls in the ball, the CUDA kernel leaves index 0
    group_idx = jnp.where(group_idx == N, 0, group_idx)
    return group_idx.astype(jnp.int64)


def reference(pcs, centroids):
    return _ball_query(pcs, centroids, RADIUS, MAX_SAMPLES)

if __name__ == "__main__":
    import jax
    _d = setup_inputs()
    print(jax.jit(kernel)(*tuple(_d.values())))

</pallas_src>

<mosaic_0001>
#map = affine_map<(d0, d1) -> (0, 0)>
module attributes {stable_mosaic.version = 14 : i64} {
  func.func @_ball_body(%arg0: i32, %arg1: i32, %arg2: memref<8x4096xf32, #tpu.memory_space<hbm>>, %arg3: memref<8x4096xf32, #tpu.memory_space<hbm>>, %arg4: memref<8x4096xf32, #tpu.memory_space<hbm>>, %arg5: memref<32x256xf32, #tpu.memory_space<hbm>>, %arg6: memref<32x256xf32, #tpu.memory_space<hbm>>, %arg7: memref<32x256xf32, #tpu.memory_space<hbm>>, %arg8: memref<32x8192xi32, #tpu.memory_space<hbm>>, %arg9: memref<4096xf32, #tpu.memory_space<vmem>>, %arg10: memref<4096xf32, #tpu.memory_space<vmem>>, %arg11: memref<4096xf32, #tpu.memory_space<vmem>>, %arg12: memref<256xf32, #tpu.memory_space<vmem>>, %arg13: memref<256xf32, #tpu.memory_space<vmem>>, %arg14: memref<256xf32, #tpu.memory_space<vmem>>, %arg15: memref<8192xi32, #tpu.memory_space<vmem>>, %arg16: memref<4096xf32, #tpu.memory_space<vmem>>) attributes {dimension_semantics = [#tpu.dimension_semantics<core_parallel>, #tpu.dimension_semantics<subcore_parallel>], iteration_bounds = array<i64: 2, 16>, scalar_prefetch = 0 : i64, scratch_operands = 8 : i64, tpu.core_type = #tpu.core_type<sc_vector_subcore>, window_params = [{transform_indices = #map}, {transform_indices = #map}, {transform_indices = #map}, {transform_indices = #map}, {transform_indices = #map}, {transform_indices = #map}, {transform_indices = #map}]} {
    %mul3A = arith.constant 2 : i32
    %mul3A_0 = arith.muli %arg1, %mul3A : i32
    %add3A = arith.addi %mul3A_0, %arg0 : i32
    %jit3A = arith.constant 4 : i32
    %div3A = arith.divsi %add3A, %jit3A : i32
    %sign3A = arith.constant 0 : i32
    %sign3A_1 = arith.cmpi sgt, %add3A, %sign3A : i32
    %sign3A_2 = arith.extui %sign3A_1 : i1 to i32
    %sign3A_3 = arith.constant 0 : i32
    %sign3A_4 = arith.cmpi slt, %add3A, %sign3A_3 : i32
    %sign3A_5 = arith.extui %sign3A_4 : i1 to i32
    %sign3A_6 = arith.subi %sign3A_2, %sign3A_5 : i32
    %sign3A_7 = arith.constant 0 : i32
    %sign3A_8 = arith.cmpi sgt, %jit3A, %sign3A_7 : i32
    %sign3A_9 = arith.extui %sign3A_8 : i1 to i32
    %sign3A_10 = arith.constant 0 : i32
    %sign3A_11 = arith.cmpi slt, %jit3A, %sign3A_10 : i32
    %sign3A_12 = arith.extui %sign3A_11 : i1 to i32
    %sign3A_13 = arith.subi %sign3A_9, %sign3A_12 : i32
    %ne3A = arith.cmpi ne, %sign3A_6, %sign3A_13 : i32
    %rem3A = arith.remsi %add3A, %jit3A : i32
    %ne3A_14 = arith.constant 0 : i32
    %ne3A_15 = arith.cmpi ne, %rem3A, %ne3A_14 : i32
    %and3A = arith.andi %ne3A, %ne3A_15 : i1
    %sub3A = arith.constant 1 : i32
    %sub3A_16 = arith.subi %div3A, %sub3A : i32
    %select_n3A = arith.select %and3A, %sub3A_16, %div3A : i32
    "tpu.region"() ({
      %run_scoped3A = tpu.sem_alloc : memref<!tpu.dma_semaphore, #tpu.memory_space<semaphore_mem>>
      %dma_start3A = arith.constant 0 : i32
      %dma_start3A_33 = tpu.memref_slice %arg2[%select_n3A, %dma_start3A] : memref<8x4096xf32, #tpu.memory_space<hbm>> -> memref<1x4096xf32, #tpu.memory_space<hbm>>
      %dma_start3A_34 = tpu.memref_squeeze %dma_start3A_33 : memref<1x4096xf32, #tpu.memory_space<hbm>> -> memref<4096xf32, #tpu.memory_space<hbm>>
      %dma_start3A_35 = arith.constant 0 : i32
      %dma_start3A_36 = tpu.memref_slice %arg2[%select_n3A, %dma_start3A_35] : memref<8x4096xf32, #tpu.memory_space<hbm>> -> memref<1x4096xf32, #tpu.memory_space<hbm>>
      %dma_start3A_37 = tpu.memref_squeeze %dma_start3A_36 : memref<1x4096xf32, #tpu.memory_space<hbm>> -> memref<4096xf32, #tpu.memory_space<hbm>>
      tpu.enqueue_dma source(%dma_start3A_37 : memref<4096xf32, #tpu.memory_space<hbm>>) target(%arg9 : memref<4096xf32, #tpu.memory_space<vmem>>) target_semaphore(%run_scoped3A : memref<!tpu.dma_semaphore, #tpu.memory_space<semaphore_mem>>)
      %dma_wait3A = arith.constant 0 : i32
      %dma_wait3A_38 = tpu.memref_slice %arg2[%select_n3A, %dma_wait3A] : memref<8x4096xf32, #tpu.memory_space<hbm>> -> memref<1x4096xf32, #tpu.memory_space<hbm>>
      %dma_wait3A_39 = tpu.memref_squeeze %dma_wait3A_38 : memref<1x4096xf32, #tpu.memory_space<hbm>> -> memref<4096xf32, #tpu.memory_space<hbm>>
      %dma_wait3A_40 = arith.constant 0 : i32
      %dma_wait3A_41 = tpu.memref_slice %arg2[%select_n3A, %dma_wait3A_40] : memref<8x4096xf32, #tpu.memory_space<hbm>> -> memref<1x4096xf32, #tpu.memory_space<hbm>>
      %dma_wait3A_42 = tpu.memref_squeeze %dma_wait3A_41 : memref<1x4096xf32, #tpu.memory_space<hbm>> -> memref<4096xf32, #tpu.memory_space<hbm>>
      tpu.wait_dma2 semaphore(%run_scoped3A : memref<!tpu.dma_semaphore, #tpu.memory_space<semaphore_mem>>) src(%dma_wait3A_42 : memref<4096xf32, #tpu.memory_space<hbm>>) dst(%arg9 : memref<4096xf32, #tpu.memory_space<vmem>>)
      tpu.yield
    }) : () -> ()
    "tpu.region"() ({
      %run_scoped3A = tpu.sem_alloc : memref<!tpu.dma_semaphore, #tpu.memory_space<semaphore_mem>>
      %dma_start3A = arith.constant 0 : i32
      %dma_start3A_33 = tpu.memref_slice %arg3[%select_n3A, %dma_start3A] : memref<8x4096xf32, #tpu.memory_space<hbm>> -> memref<1x4096xf32, #tpu.memory_space<hbm>>
      %dma_start3A_34 = tpu.memref_squeeze %dma_start3A_33 : memref<1x4096xf32, #tpu.memory_space<hbm>> -> memref<4096xf32, #tpu.memory_space<hbm>>
      %dma_start3A_35 = arith.constant 0 : i32
      %dma_start3A_36 = tpu.memref_slice %arg3[%select_n3A, %dma_start3A_35] : memref<8x4096xf32, #tpu.memory_space<hbm>> -> memref<1x4096xf32, #tpu.memory_space<hbm>>
      %dma_start3A_37 = tpu.memref_squeeze %dma_start3A_36 : memref<1x4096xf32, #tpu.memory_space<hbm>> -> memref<4096xf32, #tpu.memory_space<hbm>>
      tpu.enqueue_dma source(%dma_start3A_37 : memref<4096xf32, #tpu.memory_space<hbm>>) target(%arg10 : memref<4096xf32, #tpu.memory_space<vmem>>) target_semaphore(%run_scoped3A : memref<!tpu.dma_semaphore, #tpu.memory_space<semaphore_mem>>)
      %dma_wait3A = arith.constant 0 : i32
      %dma_wait3A_38 = tpu.memref_slice %arg3[%select_n3A, %dma_wait3A] : memref<8x4096xf32, #tpu.memory_space<hbm>> -> memref<1x4096xf32, #tpu.memory_space<hbm>>
      %dma_wait3A_39 = tpu.memref_squeeze %dma_wait3A_38 : memref<1x4096xf32, #tpu.memory_space<hbm>> -> memref<4096xf32, #tpu.memory_space<hbm>>
      %dma_wait3A_40 = arith.constant 0 : i32
      %dma_wait3A_41 = tpu.memref_slice %arg3[%select_n3A, %dma_wait3A_40] : memref<8x4096xf32, #tpu.memory_space<hbm>> -> memref<1x4096xf32, #tpu.memory_space<hbm>>
      %dma_wait3A_42 = tpu.memref_squeeze %dma_wait3A_41 : memref<1x4096xf32, #tpu.memory_space<hbm>> -> memref<4096xf32, #tpu.memory_space<hbm>>
      tpu.wait_dma2 semaphore(%run_scoped3A : memref<!tpu.dma_semaphore, #tpu.memory_space<semaphore_mem>>) src(%dma_wait3A_42 : memref<4096xf32, #tpu.memory_space<hbm>>) dst(%arg10 : memref<4096xf32, #tpu.memory_space<vmem>>)
      tpu.yield
    }) : () -> ()
    "tpu.region"() ({
      %run_scoped3A = tpu.sem_alloc : memref<!tpu.dma_semaphore, #tpu.memory_space<semaphore_mem>>
      %dma_start3A = arith.constant 0 : i32
      %dma_start3A_33 = tpu.memref_slice %arg4[%select_n3A, %dma_start3A] : memref<8x4096xf32, #tpu.memory_space<hbm>> -> memref<1x4096xf32, #tpu.memory_space<hbm>>
      %dma_start3A_34 = tpu.memref_squeeze %dma_start3A_33 : memref<1x4096xf32, #tpu.memory_space<hbm>> -> memref<4096xf32, #tpu.memory_space<hbm>>
      %dma_start3A_35 = arith.constant 0 : i32
      %dma_start3A_36 = tpu.memref_slice %arg4[%select_n3A, %dma_start3A_35] : memref<8x4096xf32, #tpu.memory_space<hbm>> -> memref<1x4096xf32, #tpu.memory_space<hbm>>
      %dma_start3A_37 = tpu.memref_squeeze %dma_start3A_36 : memref<1x4096xf32, #tpu.memory_space<hbm>> -> memref<4096xf32, #tpu.memory_space<hbm>>
      tpu.enqueue_dma source(%dma_start3A_37 : memref<4096xf32, #tpu.memory_space<hbm>>) target(%arg11 : memref<4096xf32, #tpu.memory_space<vmem>>) target_semaphore(%run_scoped3A : memref<!tpu.dma_semaphore, #tpu.memory_space<semaphore_mem>>)
      %dma_wait3A = arith.constant 0 : i32
      %dma_wait3A_38 = tpu.memref_slice %arg4[%select_n3A, %dma_wait3A] : memref<8x4096xf32, #tpu.memory_space<hbm>> -> memref<1x4096xf32, #tpu.memory_space<hbm>>
      %dma_wait3A_39 = tpu.memref_squeeze %dma_wait3A_38 : memref<1x4096xf32, #tpu.memory_space<hbm>> -> memref<4096xf32, #tpu.memory_space<hbm>>
      %dma_wait3A_40 = arith.constant 0 : i32
      %dma_wait3A_41 = tpu.memref_slice %arg4[%select_n3A, %dma_wait3A_40] : memref<8x4096xf32, #tpu.memory_space<hbm>> -> memref<1x4096xf32, #tpu.memory_space<hbm>>
      %dma_wait3A_42 = tpu.memref_squeeze %dma_wait3A_41 : memref<1x4096xf32, #tpu.memory_space<hbm>> -> memref<4096xf32, #tpu.memory_space<hbm>>
      tpu.wait_dma2 semaphore(%run_scoped3A : memref<!tpu.dma_semaphore, #tpu.memory_space<semaphore_mem>>) src(%dma_wait3A_42 : memref<4096xf32, #tpu.memory_space<hbm>>) dst(%arg11 : memref<4096xf32, #tpu.memory_space<vmem>>)
      tpu.yield
    }) : () -> ()
    "tpu.region"() ({
      %run_scoped3A = tpu.sem_alloc : memref<!tpu.dma_semaphore, #tpu.memory_space<semaphore_mem>>
      %dma_start3A = arith.constant 0 : i32
      %dma_start3A_33 = tpu.memref_slice %arg5[%add3A, %dma_start3A] : memref<32x256xf32, #tpu.memory_space<hbm>> -> memref<1x256xf32, #tpu.memory_space<hbm>>
      %dma_start3A_34 = tpu.memref_squeeze %dma_start3A_33 : memref<1x256xf32, #tpu.memory_space<hbm>> -> memref<256xf32, #tpu.memory_space<hbm>>
      %dma_start3A_35 = arith.constant 0 : i32
      %dma_start3A_36 = tpu.memref_slice %arg5[%add3A, %dma_start3A_35] : memref<32x256xf32, #tpu.memory_space<hbm>> -> memref<1x256xf32, #tpu.memory_space<hbm>>
      %dma_start3A_37 = tpu.memref_squeeze %dma_start3A_36 : memref<1x256xf32, #tpu.memory_space<hbm>> -> memref<256xf32, #tpu.memory_space<hbm>>
      tpu.enqueue_dma source(%dma_start3A_37 : memref<256xf32, #tpu.memory_space<hbm>>) target(%arg12 : memref<256xf32, #tpu.memory_space<vmem>>) target_semaphore(%run_scoped3A : memref<!tpu.dma_semaphore, #tpu.memory_space<semaphore_mem>>)
      %dma_wait3A = arith.constant 0 : i32
      %dma_wait3A_38 = tpu.memref_slice %arg5[%add3A, %dma_wait3A] : memref<32x256xf32, #tpu.memory_space<hbm>> -> memref<1x256xf32, #tpu.memory_space<hbm>>
      %dma_wait3A_39 = tpu.memref_squeeze %dma_wait3A_38 : memref<1x256xf32, #tpu.memory_space<hbm>> -> memref<256xf32, #tpu.memory_space<hbm>>
      %dma_wait3A_40 = arith.constant 0 : i32
      %dma_wait3A_41 = tpu.memref_slice %arg5[%add3A, %dma_wait3A_40] : memref<32x256xf32, #tpu.memory_space<hbm>> -> memref<1x256xf32, #tpu.memory_space<hbm>>
      %dma_wait3A_42 = tpu.memref_squeeze %dma_wait3A_41 : memref<1x256xf32, #tpu.memory_space<hbm>> -> memref<256xf32, #tpu.memory_space<hbm>>
      tpu.wait_dma2 semaphore(%run_scoped3A : memref<!tpu.dma_semaphore, #tpu.memory_space<semaphore_mem>>) src(%dma_wait3A_42 : memref<256xf32, #tpu.memory_space<hbm>>) dst(%arg12 : memref<256xf32, #tpu.memory_space<vmem>>)
      tpu.yield
    }) : () -> ()
    "tpu.region"() ({
      %run_scoped3A = tpu.sem_alloc : memref<!tpu.dma_semaphore, #tpu.memory_space<semaphore_mem>>
      %dma_start3A = arith.constant 0 : i32
      %dma_start3A_33 = tpu.memref_slice %arg6[%add3A, %dma_start3A] : memref<32x256xf32, #tpu.memory_space<hbm>> -> memref<1x256xf32, #tpu.memory_space<hbm>>
      %dma_start3A_34 = tpu.memref_squeeze %dma_start3A_33 : memref<1x256xf32, #tpu.memory_space<hbm>> -> memref<256xf32, #tpu.memory_space<hbm>>
      %dma_start3A_35 = arith.constant 0 : i32
      %dma_start3A_36 = tpu.memref_slice %arg6[%add3A, %dma_start3A_35] : memref<32x256xf32, #tpu.memory_space<hbm>> -> memref<1x256xf32, #tpu.memory_space<hbm>>
      %dma_start3A_37 = tpu.memref_squeeze %dma_start3A_36 : memref<1x256xf32, #tpu.memory_space<hbm>> -> memref<256xf32, #tpu.memory_space<hbm>>
      tpu.enqueue_dma source(%dma_start3A_37 : memref<256xf32, #tpu.memory_space<hbm>>) target(%arg13 : memref<256xf32, #tpu.memory_space<vmem>>) target_semaphore(%run_scoped3A : memref<!tpu.dma_semaphore, #tpu.memory_space<semaphore_mem>>)
      %dma_wait3A = arith.constant 0 : i32
      %dma_wait3A_38 = tpu.memref_slice %arg6[%add3A, %dma_wait3A] : memref<32x256xf32, #tpu.memory_space<hbm>> -> memref<1x256xf32, #tpu.memory_space<hbm>>
      %dma_wait3A_39 = tpu.memref_squeeze %dma_wait3A_38 : memref<1x256xf32, #tpu.memory_space<hbm>> -> memref<256xf32, #tpu.memory_space<hbm>>
      %dma_wait3A_40 = arith.constant 0 : i32
      %dma_wait3A_41 = tpu.memref_slice %arg6[%add3A, %dma_wait3A_40] : memref<32x256xf32, #tpu.memory_space<hbm>> -> memref<1x256xf32, #tpu.memory_space<hbm>>
      %dma_wait3A_42 = tpu.memref_squeeze %dma_wait3A_41 : memref<1x256xf32, #tpu.memory_space<hbm>> -> memref<256xf32, #tpu.memory_space<hbm>>
      tpu.wait_dma2 semaphore(%run_scoped3A : memref<!tpu.dma_semaphore, #tpu.memory_space<semaphore_mem>>) src(%dma_wait3A_42 : memref<256xf32, #tpu.memory_space<hbm>>) dst(%arg13 : memref<256xf32, #tpu.memory_space<vmem>>)
      tpu.yield
    }) : () -> ()
    "tpu.region"() ({
      %run_scoped3A = tpu.sem_alloc : memref<!tpu.dma_semaphore, #tpu.memory_space<semaphore_mem>>
      %dma_start3A = arith.constant 0 : i32
      %dma_start3A_33 = tpu.memref_slice %arg7[%add3A, %dma_start3A] : memref<32x256xf32, #tpu.memory_space<hbm>> -> memref<1x256xf32, #tpu.memory_space<hbm>>
      %dma_start3A_34 = tpu.memref_squeeze %dma_start3A_33 : memref<1x256xf32, #tpu.memory_space<hbm>> -> memref<256xf32, #tpu.memory_space<hbm>>
      %dma_start3A_35 = arith.constant 0 : i32
      %dma_start3A_36 = tpu.memref_slice %arg7[%add3A, %dma_start3A_35] : memref<32x256xf32, #tpu.memory_space<hbm>> -> memref<1x256xf32, #tpu.memory_space<hbm>>
      %dma_start3A_37 = tpu.memref_squeeze %dma_start3A_36 : memref<1x256xf32, #tpu.memory_space<hbm>> -> memref<256xf32, #tpu.memory_space<hbm>>
      tpu.enqueue_dma source(%dma_start3A_37 : memref<256xf32, #tpu.memory_space<hbm>>) target(%arg14 : memref<256xf32, #tpu.memory_space<vmem>>) target_semaphore(%run_scoped3A : memref<!tpu.dma_semaphore, #tpu.memory_space<semaphore_mem>>)
      %dma_wait3A = arith.constant 0 : i32
      %dma_wait3A_38 = tpu.memref_slice %arg7[%add3A, %dma_wait3A] : memref<32x256xf32, #tpu.memory_space<hbm>> -> memref<1x256xf32, #tpu.memory_space<hbm>>
      %dma_wait3A_39 = tpu.memref_squeeze %dma_wait3A_38 : memref<1x256xf32, #tpu.memory_space<hbm>> -> memref<256xf32, #tpu.memory_space<hbm>>
      %dma_wait3A_40 = arith.constant 0 : i32
      %dma_wait3A_41 = tpu.memref_slice %arg7[%add3A, %dma_wait3A_40] : memref<32x256xf32, #tpu.memory_space<hbm>> -> memref<1x256xf32, #tpu.memory_space<hbm>>
      %dma_wait3A_42 = tpu.memref_squeeze %dma_wait3A_41 : memref<1x256xf32, #tpu.memory_space<hbm>> -> memref<256xf32, #tpu.memory_space<hbm>>
      tpu.wait_dma2 semaphore(%run_scoped3A : memref<!tpu.dma_semaphore, #tpu.memory_space<semaphore_mem>>) src(%dma_wait3A_42 : memref<256xf32, #tpu.memory_space<hbm>>) dst(%arg14 : memref<256xf32, #tpu.memory_space<vmem>>)
      tpu.yield
    }) : () -> ()
    %iota3A = tpu.iota {dimensions = array<i32: 0>} : vector<16xi32>
    %broadcast_in_dim3A = arith.constant 0 : i32
    %broadcast_in_dim3A_17 = vector.broadcast %broadcast_in_dim3A : i32 to vector<16xi32>
    %broadcast_in_dim3A_18 = arith.constant 1 : i32
    %broadcast_in_dim3A_19 = vector.broadcast %broadcast_in_dim3A_18 : i32 to vector<16xi32>
    %scan3A = arith.constant 0 : i32
    %scan3A_20 = arith.constant 0 : i32
    %scan3A_21 = arith.constant 256 : i32
    %scan3A_22 = arith.addi %scan3A_20, %scan3A_21 : i32
    %scan3A_23 = arith.constant 1 : i32
    %scan3A_24 = scf.for %scan3A_33 = %scan3A_20 to %scan3A_22 step %scan3A_23 iter_args(%scan3A_34 = %scan3A) -> (i32)  : i32 {
      %mul3A_35 = arith.constant 16 : i32
      %mul3A_36 = arith.muli %scan3A_33, %mul3A_35 : i32
      %get3A = arith.index_cast %mul3A_36 : i32 to index
      %get3A_37 = tpu.vector_load %arg9[%get3A] {strides = array<i32>} : memref<4096xf32, #tpu.memory_space<vmem>>, vector<16xf32>,
      %get3A_38 = arith.index_cast %mul3A_36 : i32 to index
      %get3A_39 = tpu.vector_load %arg10[%get3A_38] {strides = array<i32>} : memref<4096xf32, #tpu.memory_space<vmem>>, vector<16xf32>,
      %get3A_40 = arith.index_cast %mul3A_36 : i32 to index
      %get3A_41 = tpu.vector_load %arg11[%get3A_40] {strides = array<i32>} : memref<4096xf32, #tpu.memory_space<vmem>>, vector<16xf32>,
      %mul3A_42 = arith.mulf %get3A_37, %get3A_37 : vector<16xf32>
      %mul3A_43 = arith.mulf %get3A_39, %get3A_39 : vector<16xf32>
      %add3A_44 = arith.addf %mul3A_42, %mul3A_43 : vector<16xf32>
      %mul3A_45 = arith.mulf %get3A_41, %get3A_41 : vector<16xf32>
      %add3A_46 = arith.addf %add3A_44, %mul3A_45 : vector<16xf32>
      %swap3A = arith.index_cast %mul3A_36 : i32 to index
      %swap3A_47 = tpu.vector_load %arg16[%swap3A] {strides = array<i32>} : memref<4096xf32, #tpu.memory_space<vmem>>, vector<16xf32>,
      tpu.vector_store %arg16[%swap3A], %add3A_46 {strides = array<i32>} : memref<4096xf32, #tpu.memory_space<vmem>>, vector<16xf32>,
      %bitcast3A = vector.bitcast %get3A_37 : vector<16xf32> to vector<16xi32>
      %shift_right_logical3A = arith.constant 16 : i32
      %shift_right_logical3A_48 = vector.broadcast %shift_right_logical3A : i32 to vector<16xi32>
      %shift_right_logical3A_49 = arith.shrui %bitcast3A, %shift_right_logical3A_48 : vector<16xi32>
      %and3A_50 = arith.constant 1 : i32
      %and3A_51 = vector.broadcast %and3A_50 : i32 to vector<16xi32>
      %and3A_52 = arith.andi %shift_right_logical3A_49, %and3A_51 : vector<16xi32>
      %add3A_53 = arith.constant 32767 : i32
      %add3A_54 = vector.broadcast %add3A_53 : i32 to vector<16xi32>
      %add3A_55 = arith.addi %bitcast3A, %add3A_54 : vector<16xi32>
      %add3A_56 = arith.addi %add3A_55, %and3A_52 : vector<16xi32>
      %and3A_57 = arith.constant -65536 : i32
      %and3A_58 = vector.broadcast %and3A_57 : i32 to vector<16xi32>
      %and3A_59 = arith.andi %add3A_56, %and3A_58 : vector<16xi32>
      %bitcast3A_60 = vector.bitcast %and3A_59 : vector<16xi32> to vector<16xf32>
      %swap3A_61 = arith.index_cast %mul3A_36 : i32 to index
      %swap3A_62 = tpu.vector_load %arg9[%swap3A_61] {strides = array<i32>} : memref<4096xf32, #tpu.memory_space<vmem>>, vector<16xf32>,
      tpu.vector_store %arg9[%swap3A_61], %bitcast3A_60 {strides = array<i32>} : memref<4096xf32, #tpu.memory_space<vmem>>, vector<16xf32>,
      %bitcast3A_63 = vector.bitcast %get3A_39 : vector<16xf32> to vector<16xi32>
      %shift_right_logical3A_64 = arith.constant 16 : i32
      %shift_right_logical3A_65 = vector.broadcast %shift_right_logical3A_64 : i32 to vector<16xi32>
      %shift_right_logical3A_66 = arith.shrui %bitcast3A_63, %shift_right_logical3A_65 : vector<16xi32>
      %and3A_67 = arith.constant 1 : i32
      %and3A_68 = vector.broadcast %and3A_67 : i32 to vector<16xi32>
      %and3A_69 = arith.andi %shift_right_logical3A_66, %and3A_68 : vector<16xi32>
      %add3A_70 = arith.constant 32767 : i32
      %add3A_71 = vector.broadcast %add3A_70 : i32 to vector<16xi32>
      %add3A_72 = arith.addi %bitcast3A_63, %add3A_71 : vector<16xi32>
      %add3A_73 = arith.addi %add3A_72, %and3A_69 : vector<16xi32>
      %and3A_74 = arith.constant -65536 : i32
      %and3A_75 = vector.broadcast %and3A_74 : i32 to vector<16xi32>
      %and3A_76 = arith.andi %add3A_73, %and3A_75 : vector<16xi32>
      %bitcast3A_77 = vector.bitcast %and3A_76 : vector<16xi32> to vector<16xf32>
      %swap3A_78 = arith.index_cast %mul3A_36 : i32 to index
      %swap3A_79 = tpu.vector_load %arg10[%swap3A_78] {strides = array<i32>} : memref<4096xf32, #tpu.memory_space<vmem>>, vector<16xf32>,
      tpu.vector_store %arg10[%swap3A_78], %bitcast3A_77 {strides = array<i32>} : memref<4096xf32, #tpu.memory_space<vmem>>, vector<16xf32>,
      %bitcast3A_80 = vector.bitcast %get3A_41 : vector<16xf32> to vector<16xi32>
      %shift_right_logical3A_81 = arith.constant 16 : i32
      %shift_right_logical3A_82 = vector.broadcast %shift_right_logical3A_81 : i32 to vector<16xi32>
      %shift_right_logical3A_83 = arith.shrui %bitcast3A_80, %shift_right_logical3A_82 : vector<16xi32>
      %and3A_84 = arith.constant 1 : i32
      %and3A_85 = vector.broadcast %and3A_84 : i32 to vector<16xi32>
      %and3A_86 = arith.andi %shift_right_logical3A_83, %and3A_85 : vector<16xi32>
      %add3A_87 = arith.constant 32767 : i32
      %add3A_88 = vector.broadcast %add3A_87 : i32 to vector<16xi32>
      %add3A_89 = arith.addi %bitcast3A_80, %add3A_88 : vector<16xi32>
      %add3A_90 = arith.addi %add3A_89, %and3A_86 : vector<16xi32>
      %and3A_91 = arith.constant -65536 : i32
      %and3A_92 = vector.broadcast %and3A_91 : i32 to vector<16xi32>
      %and3A_93 = arith.andi %add3A_90, %and3A_92 : vector<16xi32>
      %bitcast3A_94 = vector.bitcast %and3A_93 : vector<16xi32> to vector<16xf32>
      %swap3A_95 = arith.index_cast %mul3A_36 : i32 to index
      %swap3A_96 = tpu.vector_load %arg11[%swap3A_95] {strides = array<i32>} : memref<4096xf32, #tpu.memory_space<vmem>>, vector<16xf32>,
      tpu.vector_store %arg11[%swap3A_95], %bitcast3A_94 {strides = array<i32>} : memref<4096xf32, #tpu.memory_space<vmem>>, vector<16xf32>,
      %scan3A_97 = arith.constant 0 : i32
      scf.yield %scan3A_97 : i32
    }
    %scan3A_25 = arith.constant 256 : i32
    %scan3A_26 = arith.constant 0 : i32
    %scan3A_27 = arith.constant 0 : i32
    %scan3A_28 = arith.constant 256 : i32
    %scan3A_29 = arith.addi %scan3A_27, %scan3A_28 : i32
    %scan3A_30 = arith.constant 1 : i32
    %scan3A_31 = scf.for %scan3A_33 = %scan3A_27 to %scan3A_29 step %scan3A_30 iter_args(%scan3A_34 = %scan3A_26) -> (i32)  : i32 {
      %mul3A_35 = arith.constant 32 : i32
      %mul3A_36 = arith.muli %scan3A_33, %mul3A_35 : i32
      %broadcast_in_dim3A_37 = vector.broadcast %scan3A_33 : i32 to vector<16xi32>
      %gather3A = tpu.vector_load_idx %arg12[%broadcast_in_dim3A_37] : memref<256xf32, #tpu.memory_space<vmem>>[vector<16xi32>], vector<16xf32>,
      %gather3A_38 = tpu.vector_load_idx %arg13[%broadcast_in_dim3A_37] : memref<256xf32, #tpu.memory_space<vmem>>[vector<16xi32>], vector<16xf32>,
      %gather3A_39 = tpu.vector_load_idx %arg14[%broadcast_in_dim3A_37] : memref<256xf32, #tpu.memory_space<vmem>>[vector<16xi32>], vector<16xf32>,
      %mul3A_40 = arith.mulf %gather3A, %gather3A : vector<16xf32>
      %mul3A_41 = arith.mulf %gather3A_38, %gather3A_38 : vector<16xf32>
      %add3A_42 = arith.addf %mul3A_40, %mul3A_41 : vector<16xf32>
      %mul3A_43 = arith.mulf %gather3A_39, %gather3A_39 : vector<16xf32>
      %add3A_44 = arith.addf %add3A_42, %mul3A_43 : vector<16xf32>
      %bitcast3A = vector.bitcast %gather3A : vector<16xf32> to vector<16xi32>
      %shift_right_logical3A = arith.constant 16 : i32
      %shift_right_logical3A_45 = vector.broadcast %shift_right_logical3A : i32 to vector<16xi32>
      %shift_right_logical3A_46 = arith.shrui %bitcast3A, %shift_right_logical3A_45 : vector<16xi32>
      %and3A_47 = arith.constant 1 : i32
      %and3A_48 = vector.broadcast %and3A_47 : i32 to vector<16xi32>
      %and3A_49 = arith.andi %shift_right_logical3A_46, %and3A_48 : vector<16xi32>
      %add3A_50 = arith.constant 32767 : i32
      %add3A_51 = vector.broadcast %add3A_50 : i32 to vector<16xi32>
      %add3A_52 = arith.addi %bitcast3A, %add3A_51 : vector<16xi32>
      %add3A_53 = arith.addi %add3A_52, %and3A_49 : vector<16xi32>
      %and3A_54 = arith.constant -65536 : i32
      %and3A_55 = vector.broadcast %and3A_54 : i32 to vector<16xi32>
      %and3A_56 = arith.andi %add3A_53, %and3A_55 : vector<16xi32>
      %bitcast3A_57 = vector.bitcast %and3A_56 : vector<16xi32> to vector<16xf32>
      %bitcast3A_58 = vector.bitcast %gather3A_38 : vector<16xf32> to vector<16xi32>
      %shift_right_logical3A_59 = arith.constant 16 : i32
      %shift_right_logical3A_60 = vector.broadcast %shift_right_logical3A_59 : i32 to vector<16xi32>
      %shift_right_logical3A_61 = arith.shrui %bitcast3A_58, %shift_right_logical3A_60 : vector<16xi32>
      %and3A_62 = arith.constant 1 : i32
      %and3A_63 = vector.broadcast %and3A_62 : i32 to vector<16xi32>
      %and3A_64 = arith.andi %shift_right_logical3A_61, %and3A_63 : vector<16xi32>
      %add3A_65 = arith.constant 32767 : i32
      %add3A_66 = vector.broadcast %add3A_65 : i32 to vector<16xi32>
      %add3A_67 = arith.addi %bitcast3A_58, %add3A_66 : vector<16xi32>
      %add3A_68 = arith.addi %add3A_67, %and3A_64 : vector<16xi32>
      %and3A_69 = arith.constant -65536 : i32
      %and3A_70 = vector.broadcast %and3A_69 : i32 to vector<16xi32>
      %and3A_71 = arith.andi %add3A_68, %and3A_70 : vector<16xi32>
      %bitcast3A_72 = vector.bitcast %and3A_71 : vector<16xi32> to vector<16xf32>
      %bitcast3A_73 = vector.bitcast %gather3A_39 : vector<16xf32> to vector<16xi32>
      %shift_right_logical3A_74 = arith.constant 16 : i32
      %shift_right_logical3A_75 = vector.broadcast %shift_right_logical3A_74 : i32 to vector<16xi32>
      %shift_right_logical3A_76 = arith.shrui %bitcast3A_73, %shift_right_logical3A_75 : vector<16xi32>
      %and3A_77 = arith.constant 1 : i32
      %and3A_78 = vector.broadcast %and3A_77 : i32 to vector<16xi32>
      %and3A_79 = arith.andi %shift_right_logical3A_76, %and3A_78 : vector<16xi32>
      %add3A_80 = arith.constant 32767 : i32
      %add3A_81 = vector.broadcast %add3A_80 : i32 to vector<16xi32>
      %add3A_82 = arith.addi %bitcast3A_73, %add3A_81 : vector<16xi32>
      %add3A_83 = arith.addi %add3A_82, %and3A_79 : vector<16xi32>
      %and3A_84 = arith.constant -65536 : i32
      %and3A_85 = vector.broadcast %and3A_84 : i32 to vector<16xi32>
      %and3A_86 = arith.andi %add3A_83, %and3A_85 : vector<16xi32>
      %bitcast3A_87 = vector.bitcast %and3A_86 : vector<16xi32> to vector<16xf32>
      %while3A = arith.constant 0 : i32
      %while3A_88 = arith.constant true
      %while3A_89:3 = scf.while (%while3A_109 = %while3A, %while3A_110 = %broadcast_in_dim3A_17, %while3A_111 = %while3A_88) : (i32, vector<16xi32>, i1) -> (i32, vector<16xi32>, i1) {
        %lt3A = arith.constant 256 : i32
        %lt3A_112 = arith.cmpi slt, %while3A_109, %lt3A : i32
        %and3A_113 = arith.andi %lt3A_112, %while3A_111 : i1
        scf.condition(%and3A_113) %while3A_109, %while3A_110, %while3A_111 : i32, vector<16xi32>, i1
      } do {
      ^bb0(%while3A_109: i32, %while3A_110: vector<16xi32>, %while3A_111: i1):
        %slice3A = vector.extract_strided_slice %while3A_110 {offsets = [0], sizes = [1], strides = [1]} : vector<16xi32> to vector<1xi32>
        %squeeze3A = vector.extract %slice3A[0] : i32 from vector<1xi32>
        %lt3A = arith.constant 32 : i32
        %lt3A_112 = arith.cmpi slt, %squeeze3A, %lt3A : i32
        %mul3A_113 = arith.constant 16 : i32
        %mul3A_114 = arith.muli %while3A_109, %mul3A_113 : i32
        %add3A_115 = arith.constant 0 : i32
        %add3A_116 = arith.addi %mul3A_114, %add3A_115 : i32
        %get3A = arith.index_cast %add3A_116 : i32 to index
        %get3A_117 = tpu.vector_load %arg9[%get3A] {strides = array<i32>} : memref<4096xf32, #tpu.memory_space<vmem>>, vector<16xf32>,
        %mul3A_118 = arith.mulf %bitcast3A_57, %get3A_117 : vector<16xf32>
        %get3A_119 = arith.index_cast %add3A_116 : i32 to index
        %get3A_120 = tpu.vector_load %arg10[%get3A_119] {strides = array<i32>} : memref<4096xf32, #tpu.memory_space<vmem>>, vector<16xf32>,
        %mul3A_121 = arith.mulf %bitcast3A_72, %get3A_120 : vector<16xf32>
        %add3A_122 = arith.addf %mul3A_118, %mul3A_121 : vector<16xf32>
        %get3A_123 = arith.index_cast %add3A_116 : i32 to index
        %get3A_124 = tpu.vector_load %arg11[%get3A_123] {strides = array<i32>} : memref<4096xf32, #tpu.memory_space<vmem>>, vector<16xf32>,
        %mul3A_125 = arith.mulf %bitcast3A_87, %get3A_124 : vector<16xf32>
        %add3A_126 = arith.addf %add3A_122, %mul3A_125 : vector<16xf32>
        %get3A_127 = arith.index_cast %add3A_116 : i32 to index
        %get3A_128 = tpu.vector_load %arg16[%get3A_127] {strides = array<i32>} : memref<4096xf32, #tpu.memory_space<vmem>>, vector<16xf32>,
        %add3A_129 = arith.addf %add3A_44, %get3A_128 : vector<16xf32>
        %mul3A_130 = arith.constant 2.000000e+00 : f32
        %mul3A_131 = vector.broadcast %mul3A_130 : f32 to vector<16xf32>
        %mul3A_132 = arith.mulf %mul3A_131, %add3A_126 : vector<16xf32>
        %sub3A_133 = arith.subf %add3A_129, %mul3A_132 : vector<16xf32>
        %lt3A_134 = arith.constant 4.000000e-02 : f32
        %lt3A_135 = vector.broadcast %lt3A_134 : f32 to vector<16xf32>
        %lt3A_136 = arith.cmpf olt, %sub3A_133, %lt3A_135 : vector<16xf32>
        %add3A_137 = arith.constant 16 : i32
        %add3A_138 = arith.addi %mul3A_114, %add3A_137 : i32
        %get3A_139 = arith.index_cast %add3A_138 : i32 to index
        %get3A_140 = tpu.vector_load %arg9[%get3A_139] {strides = array<i32>} : memref<4096xf32, #tpu.memory_space<vmem>>, vector<16xf32>,
        %mul3A_141 = arith.mulf %bitcast3A_57, %get3A_140 : vector<16xf32>
        %get3A_142 = arith.index_cast %add3A_138 : i32 to index
        %get3A_143 = tpu.vector_load %arg10[%get3A_142] {strides = array<i32>} : memref<4096xf32, #tpu.memory_space<vmem>>, vector<16xf32>,
        %mul3A_144 = arith.mulf %bitcast3A_72, %get3A_143 : vector<16xf32>
        %add3A_145 = arith.addf %mul3A_141, %mul3A_144 : vector<16xf32>
        %get3A_146 = arith.index_cast %add3A_138 : i32 to index
        %get3A_147 = tpu.vector_load %arg11[%get3A_146] {strides = array<i32>} : memref<4096xf32, #tpu.memory_space<vmem>>, vector<16xf32>,
        %mul3A_148 = arith.mulf %bitcast3A_87, %get3A_147 : vector<16xf32>
        %add3A_149 = arith.addf %add3A_145, %mul3A_148 : vector<16xf32>
        %get3A_150 = arith.index_cast %add3A_138 : i32 to index
        %get3A_151 = tpu.vector_load %arg16[%get3A_150] {strides = array<i32>} : memref<4096xf32, #tpu.memory_space<vmem>>, vector<16xf32>,
        %add3A_152 = arith.addf %add3A_44, %get3A_151 : vector<16xf32>
        %mul3A_153 = arith.constant 2.000000e+00 : f32
        %mul3A_154 = vector.broadcast %mul3A_153 : f32 to vector<16xf32>
        %mul3A_155 = arith.mulf %mul3A_154, %add3A_149 : vector<16xf32>
        %sub3A_156 = arith.subf %add3A_152, %mul3A_155 : vector<16xf32>
        %lt3A_157 = arith.constant 4.000000e-02 : f32
        %lt3A_158 = vector.broadcast %lt3A_157 : f32 to vector<16xf32>
        %lt3A_159 = arith.cmpf olt, %sub3A_156, %lt3A_158 : vector<16xf32>
        %add3A_160 = arith.constant 32 : i32
        %add3A_161 = arith.addi %mul3A_114, %add3A_160 : i32
        %get3A_162 = arith.index_cast %add3A_161 : i32 to index
        %get3A_163 = tpu.vector_load %arg9[%get3A_162] {strides = array<i32>} : memref<4096xf32, #tpu.memory_space<vmem>>, vector<16xf32>,
        %mul3A_164 = arith.mulf %bitcast3A_57, %get3A_163 : vector<16xf32>
        %get3A_165 = arith.index_cast %add3A_161 : i32 to index
        %get3A_166 = tpu.vector_load %arg10[%get3A_165] {strides = array<i32>} : memref<4096xf32, #tpu.memory_space<vmem>>, vector<16xf32>,
        %mul3A_167 = arith.mulf %bitcast3A_72, %get3A_166 : vector<16xf32>
        %add3A_168 = arith.addf %mul3A_164, %mul3A_167 : vector<16xf32>
        %get3A_169 = arith.index_cast %add3A_161 : i32 to index
        %get3A_170 = tpu.vector_load %arg11[%get3A_169] {strides = array<i32>} : memref<4096xf32, #tpu.memory_space<vmem>>, vector<16xf32>,
        %mul3A_171 = arith.mulf %bitcast3A_87, %get3A_170 : vector<16xf32>
        %add3A_172 = arith.addf %add3A_168, %mul3A_171 : vector<16xf32>
        %get3A_173 = arith.index_cast %add3A_161 : i32 to index
        %get3A_174 = tpu.vector_load %arg16[%get3A_173] {strides = array<i32>} : memref<4096xf32, #tpu.memory_space<vmem>>, vector<16xf32>,
        %add3A_175 = arith.addf %add3A_44, %get3A_174 : vector<16xf32>
        %mul3A_176 = arith.constant 2.000000e+00 : f32
        %mul3A_177 = vector.broadcast %mul3A_176 : f32 to vector<16xf32>
        %mul3A_178 = arith.mulf %mul3A_177, %add3A_172 : vector<16xf32>
        %sub3A_179 = arith.subf %add3A_175, %mul3A_178 : vector<16xf32>
        %lt3A_180 = arith.constant 4.000000e-02 : f32
        %lt3A_181 = vector.broadcast %lt3A_180 : f32 to vector<16xf32>
        %lt3A_182 = arith.cmpf olt, %sub3A_179, %lt3A_181 : vector<16xf32>
        %add3A_183 = arith.constant 48 : i32
        %add3A_184 = arith.addi %mul3A_114, %add3A_183 : i32
        %get3A_185 = arith.index_cast %add3A_184 : i32 to index
        %get3A_186 = tpu.vector_load %arg9[%get3A_185] {strides = array<i32>} : memref<4096xf32, #tpu.memory_space<vmem>>, vector<16xf32>,
        %mul3A_187 = arith.mulf %bitcast3A_57, %get3A_186 : vector<16xf32>
        %get3A_188 = arith.index_cast %add3A_184 : i32 to index
        %get3A_189 = tpu.vector_load %arg10[%get3A_188] {strides = array<i32>} : memref<4096xf32, #tpu.memory_space<vmem>>, vector<16xf32>,
        %mul3A_190 = arith.mulf %bitcast3A_72, %get3A_189 : vector<16xf32>
        %add3A_191 = arith.addf %mul3A_187, %mul3A_190 : vector<16xf32>
        %get3A_192 = arith.index_cast %add3A_184 : i32 to index
        %get3A_193 = tpu.vector_load %arg11[%get3A_192] {strides = array<i32>} : memref<4096xf32, #tpu.memory_space<vmem>>, vector<16xf32>,
        %mul3A_194 = arith.mulf %bitcast3A_87, %get3A_193 : vector<16xf32>
        %add3A_195 = arith.addf %add3A_191, %mul3A_194 : vector<16xf32>
        %get3A_196 = arith.index_cast %add3A_184 : i32 to index
        %get3A_197 = tpu.vector_load %arg16[%get3A_196] {strides = array<i32>} : memref<4096xf32, #tpu.memory_space<vmem>>, vector<16xf32>,
        %add3A_198 = arith.addf %add3A_44, %get3A_197 : vector<16xf32>
        %mul3A_199 = arith.constant 2.000000e+00 : f32
        %mul3A_200 = vector.broadcast %mul3A_199 : f32 to vector<16xf32>
        %mul3A_201 = arith.mulf %mul3A_200, %add3A_195 : vector<16xf32>
        %sub3A_202 = arith.subf %add3A_198, %mul3A_201 : vector<16xf32>
        %lt3A_203 = arith.constant 4.000000e-02 : f32
        %lt3A_204 = vector.broadcast %lt3A_203 : f32 to vector<16xf32>
        %lt3A_205 = arith.cmpf olt, %sub3A_202, %lt3A_204 : vector<16xf32>
        %masked_cumsum3A = tpu.scan <sum>, %broadcast_in_dim3A_19 masked %lt3A_136 : vector<16xi32>, vector<16xi1> -> vector<16xi32>
        %add3A_206 = arith.addi %while3A_110, %masked_cumsum3A : vector<16xi32>
        %sub3A_207 = arith.constant 1 : i32
        %sub3A_208 = vector.broadcast %sub3A_207 : i32 to vector<16xi32>
        %sub3A_209 = arith.subi %add3A_206, %sub3A_208 : vector<16xi32>
        %lt3A_210 = arith.constant 32 : i32
        %lt3A_211 = vector.broadcast %lt3A_210 : i32 to vector<16xi32>
        %lt3A_212 = arith.cmpi slt, %sub3A_209, %lt3A_211 : vector<16xi32>
        %and3A_213 = arith.andi %lt3A_136, %lt3A_212 : vector<16xi1>
        %add3A_214 = vector.broadcast %mul3A_36 : i32 to vector<16xi32>
        %add3A_215 = arith.addi %add3A_214, %sub3A_209 : vector<16xi32>
        %add3A_216 = arith.constant 0 : i32
        %add3A_217 = arith.addi %mul3A_114, %add3A_216 : i32
        %add3A_218 = vector.broadcast %add3A_217 : i32 to vector<16xi32>
        %add3A_219 = arith.addi %iota3A, %add3A_218 : vector<16xi32>
        tpu.vector_store_idx %arg15[%add3A_215], %add3A_219 masked %and3A_213 : memref<8192xi32, #tpu.memory_space<vmem>>[vector<16xi32>], vector<16xi32>, vector<16xi1>
        %all_reduce_population_count3A = tpu.all_reduce %lt3A_136 {dim = 0 : i64, kind = #tpu.reduction_kind<sum>} : vector<16xi1> -> vector<16xi32>
        %add3A_220 = arith.addi %while3A_110, %all_reduce_population_count3A : vector<16xi32>
        %masked_cumsum3A_221 = tpu.scan <sum>, %broadcast_in_dim3A_19 masked %lt3A_159 : vector<16xi32>, vector<16xi1> -> vector<16xi32>
        %add3A_222 = arith.addi %add3A_220, %masked_cumsum3A_221 : vector<16xi32>
        %sub3A_223 = arith.constant 1 : i32
        %sub3A_224 = vector.broadcast %sub3A_223 : i32 to vector<16xi32>
        %sub3A_225 = arith.subi %add3A_222, %sub3A_224 : vector<16xi32>
        %lt3A_226 = arith.constant 32 : i32
        %lt3A_227 = vector.broadcast %lt3A_226 : i32 to vector<16xi32>
        %lt3A_228 = arith.cmpi slt, %sub3A_225, %lt3A_227 : vector<16xi32>
        %and3A_229 = arith.andi %lt3A_159, %lt3A_228 : vector<16xi1>
        %add3A_230 = vector.broadcast %mul3A_36 : i32 to vector<16xi32>
        %add3A_231 = arith.addi %add3A_230, %sub3A_225 : vector<16xi32>
        %add3A_232 = arith.constant 16 : i32
        %add3A_233 = arith.addi %mul3A_114, %add3A_232 : i32
        %add3A_234 = vector.broadcast %add3A_233 : i32 to vector<16xi32>
        %add3A_235 = arith.addi %iota3A, %add3A_234 : vector<16xi32>
        tpu.vector_store_idx %arg15[%add3A_231], %add3A_235 masked %and3A_229 : memref<8192xi32, #tpu.memory_space<vmem>>[vector<16xi32>], vector<16xi32>, vector<16xi1>
        %all_reduce_population_count3A_236 = tpu.all_reduce %lt3A_159 {dim = 0 : i64, kind = #tpu.reduction_kind<sum>} : vector<16xi1> -> vector<16xi32>
        %add3A_237 = arith.addi %add3A_220, %all_reduce_population_count3A_236 : vector<16xi32>
        %masked_cumsum3A_238 = tpu.scan <sum>, %broadcast_in_dim3A_19 masked %lt3A_182 : vector<16xi32>, vector<16xi1> -> vector<16xi32>
        %add3A_239 = arith.addi %add3A_237, %masked_cumsum3A_238 : vector<16xi32>
        %sub3A_240 = arith.constant 1 : i32
        %sub3A_241 = vector.broadcast %sub3A_240 : i32 to vector<16xi32>
        %sub3A_242 = arith.subi %add3A_239, %sub3A_241 : vector<16xi32>
        %lt3A_243 = arith.constant 32 : i32
        %lt3A_244 = vector.broadcast %lt3A_243 : i32 to vector<16xi32>
        %lt3A_245 = arith.cmpi slt, %sub3A_242, %lt3A_244 : vector<16xi32>
        %and3A_246 = arith.andi %lt3A_182, %lt3A_245 : vector<16xi1>
        %add3A_247 = vector.broadcast %mul3A_36 : i32 to vector<16xi32>
        %add3A_248 = arith.addi %add3A_247, %sub3A_242 : vector<16xi32>
        %add3A_249 = arith.constant 32 : i32
        %add3A_250 = arith.addi %mul3A_114, %add3A_249 : i32
        %add3A_251 = vector.broadcast %add3A_250 : i32 to vector<16xi32>
        %add3A_252 = arith.addi %iota3A, %add3A_251 : vector<16xi32>
        tpu.vector_store_idx %arg15[%add3A_248], %add3A_252 masked %and3A_246 : memref<8192xi32, #tpu.memory_space<vmem>>[vector<16xi32>], vector<16xi32>, vector<16xi1>
        %all_reduce_population_count3A_253 = tpu.all_reduce %lt3A_182 {dim = 0 : i64, kind = #tpu.reduction_kind<sum>} : vector<16xi1> -> vector<16xi32>
        %add3A_254 = arith.addi %add3A_237, %all_reduce_population_count3A_253 : vector<16xi32>
        %masked_cumsum3A_255 = tpu.scan <sum>, %broadcast_in_dim3A_19 masked %lt3A_205 : vector<16xi32>, vector<16xi1> -> vector<16xi32>
        %add3A_256 = arith.addi %add3A_254, %masked_cumsum3A_255 : vector<16xi32>
        %sub3A_257 = arith.constant 1 : i32
        %sub3A_258 = vector.broadcast %sub3A_257 : i32 to vector<16xi32>
        %sub3A_259 = arith.subi %add3A_256, %sub3A_258 : vector<16xi32>
        %lt3A_260 = arith.constant 32 : i32
        %lt3A_261 = vector.broadcast %lt3A_260 : i32 to vector<16xi32>
        %lt3A_262 = arith.cmpi slt, %sub3A_259, %lt3A_261 : vector<16xi32>
        %and3A_263 = arith.andi %lt3A_205, %lt3A_262 : vector<16xi1>
        %add3A_264 = vector.broadcast %mul3A_36 : i32 to vector<16xi32>
        %add3A_265 = arith.addi %add3A_264, %sub3A_259 : vector<16xi32>
        %add3A_266 = arith.constant 48 : i32
        %add3A_267 = arith.addi %mul3A_114, %add3A_266 : i32
        %add3A_268 = vector.broadcast %add3A_267 : i32 to vector<16xi32>
        %add3A_269 = arith.addi %iota3A, %add3A_268 : vector<16xi32>
        tpu.vector_store_idx %arg15[%add3A_265], %add3A_269 masked %and3A_263 : memref<8192xi32, #tpu.memory_space<vmem>>[vector<16xi32>], vector<16xi32>, vector<16xi1>
        %all_reduce_population_count3A_270 = tpu.all_reduce %lt3A_205 {dim = 0 : i64, kind = #tpu.reduction_kind<sum>} : vector<16xi1> -> vector<16xi32>
        %add3A_271 = arith.addi %add3A_254, %all_reduce_population_count3A_270 : vector<16xi32>
        %add3A_272 = arith.constant 4 : i32
        %add3A_273 = arith.addi %while3A_109, %add3A_272 : i32
        scf.yield %add3A_273, %add3A_271, %lt3A_112 : i32, vector<16xi32>, i1
      }
      %broadcast_in_dim3A_90 = vector.broadcast %mul3A_36 : i32 to vector<16xi32>
      %gather3A_91 = tpu.vector_load_idx %arg15[%broadcast_in_dim3A_90] : memref<8192xi32, #tpu.memory_space<vmem>>[vector<16xi32>], vector<16xi32>,
      %gt3A = arith.constant 0 : i32
      %gt3A_92 = vector.broadcast %gt3A : i32 to vector<16xi32>
      %gt3A_93 = arith.cmpi sgt, %while3A_89#1, %gt3A_92 : vector<16xi32>
      %jit3A_94 = arith.constant 0 : i32
      %broadcast_in_dim3A_95 = vector.broadcast %jit3A_94 : i32 to vector<16xi32>
      %select_n3A_96 = arith.select %gt3A_93, %gather3A_91, %broadcast_in_dim3A_95 : vector<16xi1>, vector<16xi32>
      %add3A_97 = arith.constant 0 : i32
      %add3A_98 = vector.broadcast %add3A_97 : i32 to vector<16xi32>
      %add3A_99 = arith.addi %iota3A, %add3A_98 : vector<16xi32>
      %add3A_100 = vector.broadcast %mul3A_36 : i32 to vector<16xi32>
      %add3A_101 = arith.addi %add3A_100, %add3A_99 : vector<16xi32>
      %ge3A = arith.cmpi sge, %add3A_99, %while3A_89#1 : vector<16xi32>
      tpu.vector_store_idx %arg15[%add3A_101], %select_n3A_96 masked %ge3A : memref<8192xi32, #tpu.memory_space<vmem>>[vector<16xi32>], vector<16xi32>, vector<16xi1>
      %add3A_102 = arith.constant 16 : i32
      %add3A_103 = vector.broadcast %add3A_102 : i32 to vector<16xi32>
      %add3A_104 = arith.addi %iota3A, %add3A_103 : vector<16xi32>
      %add3A_105 = vector.broadcast %mul3A_36 : i32 to vector<16xi32>
      %add3A_106 = arith.addi %add3A_105, %add3A_104 : vector<16xi32>
      %ge3A_107 = arith.cmpi sge, %add3A_104, %while3A_89#1 : vector<16xi32>
      tpu.vector_store_idx %arg15[%add3A_106], %select_n3A_96 masked %ge3A_107 : memref<8192xi32, #tpu.memory_space<vmem>>[vector<16xi32>], vector<16xi32>, vector<16xi1>
      %scan3A_108 = arith.constant 0 : i32
      scf.yield %scan3A_108 : i32
    }
    %scan3A_32 = arith.constant 256 : i32
    "tpu.region"() ({
      %run_scoped3A = tpu.sem_alloc : memref<!tpu.dma_semaphore, #tpu.memory_space<semaphore_mem>>
      %dma_start3A = arith.constant 0 : i32
      %dma_start3A_33 = tpu.memref_slice %arg8[%add3A, %dma_start3A] : memref<32x8192xi32, #tpu.memory_space<hbm>> -> memref<1x8192xi32, #tpu.memory_space<hbm>>
      %dma_start3A_34 = tpu.memref_squeeze %dma_start3A_33 : memref<1x8192xi32, #tpu.memory_space<hbm>> -> memref<8192xi32, #tpu.memory_space<hbm>>
      %dma_start3A_35 = arith.constant 0 : i32
      %dma_start3A_36 = tpu.memref_slice %arg8[%add3A, %dma_start3A_35] : memref<32x8192xi32, #tpu.memory_space<hbm>> -> memref<1x8192xi32, #tpu.memory_space<hbm>>
      %dma_start3A_37 = tpu.memref_squeeze %dma_start3A_36 : memref<1x8192xi32, #tpu.memory_space<hbm>> -> memref<8192xi32, #tpu.memory_space<hbm>>
      tpu.enqueue_dma source(%arg15 : memref<8192xi32, #tpu.memory_space<vmem>>) target(%dma_start3A_37 : memref<8192xi32, #tpu.memory_space<hbm>>) target_semaphore(%run_scoped3A : memref<!tpu.dma_semaphore, #tpu.memory_space<semaphore_mem>>)
      %dma_wait3A = arith.constant 0 : i32
      %dma_wait3A_38 = tpu.memref_slice %arg8[%add3A, %dma_wait3A] : memref<32x8192xi32, #tpu.memory_space<hbm>> -> memref<1x8192xi32, #tpu.memory_space<hbm>>
      %dma_wait3A_39 = tpu.memref_squeeze %dma_wait3A_38 : memref<1x8192xi32, #tpu.memory_space<hbm>> -> memref<8192xi32, #tpu.memory_space<hbm>>
      %dma_wait3A_40 = arith.constant 0 : i32
      %dma_wait3A_41 = tpu.memref_slice %arg8[%add3A, %dma_wait3A_40] : memref<32x8192xi32, #tpu.memory_space<hbm>> -> memref<1x8192xi32, #tpu.memory_space<hbm>>
      %dma_wait3A_42 = tpu.memref_squeeze %dma_wait3A_41 : memref<1x8192xi32, #tpu.memory_space<hbm>> -> memref<8192xi32, #tpu.memory_space<hbm>>
      tpu.wait_dma2 semaphore(%run_scoped3A : memref<!tpu.dma_semaphore, #tpu.memory_space<semaphore_mem>>) src(%arg15 : memref<8192xi32, #tpu.memory_space<vmem>>) dst(%dma_wait3A_42 : memref<8192xi32, #tpu.memory_space<hbm>>)
      tpu.yield
    }) : () -> ()
    return
  }
}

</mosaic_0001>

<sc_bundles>
// kernel: kernel.3.cloned.1.call-start
scs
__scs_entry_jumppad:
0x0: {  	(pc) =	sbr.rel $0x88, $3  }
0x1: {  	(tag) =	ssettag $0x0;
	lr =	simm.s32 $0x1  }
0x2: {  	[smem:$0x3F9F] =	sst lr;
	_ =	strace $0xD0000000  }
0x3: {  	_ = 	snop  }
0x4: {  	_ = 	snop  }
0x5: {  	_ = 	snop  }
0x6: {  	_ = 	snop  }
0x7: {  	_ = 	snop  }
__scs_overlays_trampoline_lowered:
0x8: {  	[smem:$0x3FAE] =	sst s0  }
0x9: {  	[smem:$0x3FAF] =	sst s1  }
0xa: {  	[smem:$0x3FB0] =	sst s2  }
0xb: {  	[smem:$0x3FB1] =	sst s3  }
0xc: {  	[smem:$0x3FB2] =	sst s4  }
0xd: {  	[smem:$0x3FB3] =	sst s5  }
0xe: {  	[smem:$0x3FB4] =	sst s6  }
0xf: {  	[smem:$0x3FB5] =	sst s7  }
0x10: {  	[smem:$0x3FB6] =	sst s8  }
0x11: {  	[smem:$0x3FB7] =	sst s9;
	s0 =	simm.s32 @!p0 $0x0  }
0x12: {  	s1 =	sld [smem:$0x3F9D];
	s0 =	simm.s32 @p0 $0x1  }
0x13: {  	[smem:$0x3FB8] =	sst s0;
	s0 =	simm.s32 @!p1 $0x0  }
0x14: {  	s2 =	sld [smem:$0x3F9C];
	s0 =	simm.s32 @p1 $0x1  }
0x15: {  	[smem:$0x3FB9] =	sst s0;
	s0 =	simm.s32 @!p2 $0x0  }
0x16: {  	s3 =	sld [smem:$0x3FDB];
	s0 =	simm.s32 @p2 $0x1  }
0x17: {  	s4 =	simm.s32 $0x1BF5;
	[smem:$0x3FBB] =	sst s0  }
0x18: {  	s0 =	sld [smem:$0x3F9E];
	_ =	swait.ge [sflag:s4], $0x0  }
0x19: {  	s7 =	sld [smem:$0x3F9F]  }
0x1a: {  	s8 =	sadd.s32 $0xFFFFE003, lr  }
0x1b: {  	s9 =	sadd.s32 $0xFFFFFEF7, lr;
	s5 =	simm.s32 $0xFFFFFFFF;
	p2 =	slt.u32 s8, $0xFFFFF086  }
0x1c: {  	p1 =	slt.u32 s9, $0xF7A;
	s5 =	simm.s32 @!p2 $0x0  }
0x1d: {  	s5 =	simm.s32 @p1 $0x1;
	p0 =	seq.s32 s7, s2  }
0x1e: {  	s7 =	smul.u32 @!p0 $0xF7A, s2;
	p2 =	seq.s32 @!p0 s5, $0x0  }
0x1f: {  	s9 =	smul.u32 $0xF7A, s1;
	s8 =	simm.s32 @!p0 $0x1BF5;
	p2 =	por !p2, p0  }
0x20: {  	[sflag:s8] =	ssyncset.s32 @!p0 $0xFFFFF086;
	s6 =	sadd.s32 @!p0 s3, s7;
	s7 =	simm.s32 @!p0 $0x108  }
0x21: {  	s3 =	sadd.s32 s3, s9;
	s6 =	sadd.s32 @!p0 $0x88, s6;
	s7 =	simm.s32 @p2 $0x1082  }
0x22: {  	[simem:s7], [sflag:s8] =	dma.local @!p0 [hbm:s6], $0xF7A  }
0x23: {  	s9 =	sor.u32 $0xD0000000, s2;
	s6 =	simm.s32 $0x108;
	_ =	swait.ge @!p0 [sflag:s8], $0x0  }
0x24: {  	s3 =	sadd.s32 $0x88, s3;
	s6 =	simm.s32 @!p1 $0x1082;
	[sflag:s4] =	ssyncset.s32 $0xFFFFF086  }
0x25: {  	[simem:s6], [sflag:s4] =	dma.local [hbm:s3], $0xF7A  }
0x26: {  	[smem:$0x3F9F] =	sst s1;
	(tag) =	ssettag s2;
	_ =	strace s9  }
0x27: {  	s1 =	sld [smem:$0x3FAF]  }
0x28: {  	s2 =	sld [smem:$0x3FB0]  }
0x29: {  	s4 =	sld [smem:$0x3FB2]  }
0x2a: {  	p0 =	seq.s32 s5, $0x0;
	s5 =	sld [smem:$0x3FB3]  }
0x2b: {  	s6 =	sld [smem:$0x3FB4]  }
0x2c: {  	s7 =	sld [smem:$0x3FB5]  }
0x2d: {  	s3 =	simm.s32 $0x108;
	s8 =	sld [smem:$0x3FB6]  }
0x2e: {  	s3 =	simm.s32 @!p0 $0x1082;
	s9 =	sld [smem:$0x3FB7]  }
0x2f: {  	lr =	sadd.s32 s0, s3;
	s0 =	sld [smem:$0x3FAE]  }
0x30: {  	s3 =	sld [smem:$0x3FB1]  }
0x31: {  	[smem:$0x3FBA] =	sst s10  }
0x32: {  	s10 =	sld [smem:$0x3FB8];
	_ =	sdelay $0x3  }
0x33: {  	p0 =	seq.s32 s10, $0x1;
	s10 =	sld [smem:$0x3FBA];
	_ =	sdelay $0x3  }
0x34: {  	[smem:$0x3FBA] =	sst s10  }
0x35: {  	s10 =	sld [smem:$0x3FB9];
	_ =	sdelay $0x3  }
0x36: {  	p1 =	seq.s32 s10, $0x1;
	s10 =	sld [smem:$0x3FBA];
	_ =	sdelay $0x3  }
0x37: {  	[smem:$0x3FBA] =	sst s10  }
0x38: {  	s10 =	sld [smem:$0x3FBB]  }
0x39: {  	_ = 	snop;
	(pc) =	sbr.ind lr, $3  }
0x3a: {  	_ = 	snop  }
0x3b: {  	_ = 	snop  }
0x3c: {  	p2 =	seq.s32 s10, $0x1;
	s10 =	sld [smem:$0x3FBA]  }
0x3d: {  	_ =	shalt  }
0x3e: {  	_ =	shalt  }
0x3f: {  	_ =	shalt  }
0x40: {  	_ =	shalt  }
0x41: {  	_ =	shalt  }
0x42: {  	_ =	shalt  }
0x43: {  	_ =	shalt  }
0x44: {  	_ =	shalt  }
0x45: {  	_ =	shalt  }
0x46: {  	_ =	shalt  }
0x47: {  	_ =	shalt  }
0x48: {  	_ =	shalt  }
0x49: {  	_ =	shalt  }
0x4a: {  	_ =	shalt  }
0x4b: {  	_ =	shalt  }
0x4c: {  	_ =	shalt  }
0x4d: {  	_ =	shalt  }
0x4e: {  	_ =	shalt  }
0x4f: {  	_ =	shalt  }
0x50: {  	_ =	shalt  }
0x51: {  	_ =	shalt  }
0x52: {  	_ =	shalt  }
0x53: {  	_ =	shalt  }
0x54: {  	_ =	shalt  }
0x55: {  	_ =	shalt  }
0x56: {  	_ =	shalt  }
0x57: {  	_ =	shalt  }
0x58: {  	_ =	shalt  }
0x59: {  	_ =	shalt  }
0x5a: {  	_ =	shalt  }
0x5b: {  	_ =	shalt  }
0x5c: {  	_ =	shalt  }
0x5d: {  	_ =	shalt  }
0x5e: {  	_ =	shalt  }
0x5f: {  	_ =	shalt  }
0x60: {  	_ =	shalt  }
0x61: {  	_ =	shalt  }
0x62: {  	_ =	shalt  }
0x63: {  	_ =	shalt  }
0x64: {  	_ =	shalt  }
0x65: {  	_ =	shalt  }
0x66: {  	_ =	shalt  }
0x67: {  	_ =	shalt  }
0x68: {  	_ =	shalt  }
0x69: {  	_ =	shalt  }
0x6a: {  	_ =	shalt  }
0x6b: {  	_ =	shalt  }
0x6c: {  	_ =	shalt  }
0x6d: {  	_ =	shalt  }
0x6e: {  	_ =	shalt  }
0x6f: {  	_ =	shalt  }
0x70: {  	_ =	shalt  }
0x71: {  	_ =	shalt  }
0x72: {  	_ =	shalt  }
0x73: {  	_ =	shalt  }
0x74: {  	_ =	shalt  }
0x75: {  	_ =	shalt  }
0x76: {  	_ =	shalt  }
0x77: {  	_ =	shalt  }
0x78: {  	_ =	shalt  }
0x79: {  	_ =	shalt  }
0x7a: {  	_ =	shalt  }
0x7b: {  	_ =	shalt  }
0x7c: {  	_ =	shalt  }
0x7d: {  	_ =	shalt  }
0x7e: {  	_ =	shalt  }
0x7f: {  	_ =	shalt  }
0x80: {  	_ =	shalt  }
0x81: {  	_ =	shalt  }
0x82: {  	_ =	shalt  }
0x83: {  	_ =	shalt  }
0x84: {  	_ =	shalt  }
0x85: {  	_ =	shalt  }
0x86: {  	_ =	shalt  }
0x87: {  	_ =	shalt  }
.Lfunc_end0:
.L_simem_size_0:
called_computation_lowered:
.L_overlay_start_0:
0x88: {  	s2 =	sld [smem:$0x3FD9]  }
0x89: {  	s3 =	sld [smem:$0x3FFE];
	_ =	sdelay $0x1  }
0x8a: {  	s1 =	srdreg.scid  }
0x8b: {  	s0 =	sand.u32 $0x1, s1  }
0x8c: {  	s17 =	sshll.u32 s0, $0xA;
	s2 =	sadd.s32 s3, s2  }
0x8d: {  	s2 =	sadd.s32 s2, s17  }
0x8e: {  	[smem:$0x3FC6] =	sst s2  }
0x8f: {  	_ = 	snop  }
0x90: {  	s2 =	sld [smem:$0x3FD0];
	(tm) =	ssettm $0x1  }
0x91: {  	s18 =	sld [smem:$0x3FFB];
	_ =	sdelay $0x3  }
0x92: {  	_ =	strace s18  }
0x93: {  	s3 =	sld [smem:$0x3FFC];
	_ =	sdelay $0x3  }
0x94: {  	_ =	strace s3  }
0x95: {  	s3 =	sld [smem:$0x3FFD];
	_ =	sdelay $0x3  }
0x96: {  	_ =	strace s3  }
0x97: {  	_ =	strace $0x8FFFFFFF  }
0x98: {  	s19 =	sld [smem:$0x3FDB];
	_ =	sdelay $0x1  }
0x99: {  	s4 =	simm.s32 $_scs_section_size  }
0x9a: {  	s5 =	simm.s32 $_size__tile_overlayer_lowered;
	s6 =	simm.s32 $_tile_overlayer_lowered  }
0x9b: {  	s22 =	simm.s32 $0x1BFF;
	s21 =	sshll.u32 s6, $0x1;
	s3 =	sadd.s32 s4, s19  }
0x9c: {  	s7 =	simm.s32 $0x0;
	s20 =	sshll.u32 s5, $0x1;
	s5 =	sadd.s32 s21, s3  }
0x9d: {  	[timem:s7], [sflag:s22] =	dma.local [hbm:s5], s20  }
0x9e: {  	_ =	swait.ge [sflag:s22], s20  }
0x9f: {  	s4 =	ssub.s32 $0x0, s20;
	[sflag:s22] =	ssyncset.done $0x0  }
0xa0: {  	[sflag:s22] =	ssyncadd.s32 s4;
	_ =	sdelay $0x1  }
0xa1: {  	s23 =	simm.s32 $0x1B8B  }
0xa2: {  	_ =	swait.ge [sflag:s23], $0x1  }
0xa3: {  	[sflag:s23] =	ssyncset.done $0x0  }
0xa4: {  	s25 =	simm.s32 $0x1B8E;
	s24 =	sld [smem:$0x3FFE];
	[sflag:s23] =	ssyncadd.s32 $0xFFFFFFFF  }
0xa5: {  	s26 =	simm.s32 $execute0_lowered;
	[smem:$0x3FD2] =	sst s25  }
0xa6: {  	s5 =	sshll.u32 s26, $0x1;
	_ =	strace $0x80000046;
	[dreg:$0x1] =	wrdreg $0xFFFFFFFF  }
0xa7: {  	s28 =	simm.s32 $_size_execute0_lowered;
	s3 =	sadd.s32 s3, s5;
	[dreg:$0x0] =	wrdreg $0x0  }
0xa8: {  	s5 =	sshll.u32 s28, $0x1;
	[dreg:$0x2] =	wrdreg s3  }
0xa9: {  	[dreg:$0x3] =	wrdreg s5  }
0xaa: {  	[dreg:$0x4] =	wrdreg $0xC0  }
0xab: {  	_ =	task [dreg:s7], $0x5FFFF  }
0xac: {  	[dreg:$0x1] =	wrdreg $0xFFFFFFFF  }
0xad: {  	[dreg:$0x0] =	wrdreg $0x60  }
0xae: {  	[dreg:$0x2] =	wrdreg s24  }
0xaf: {  	[dreg:$0x3] =	wrdreg s2  }
0xb0: {  	[dreg:$0x4] =	wrdreg $0x9  }
0xb1: {  	_ =	task.clear_ibuf [dreg:s7], $0x5FFFF;
	_ =	strace $0x90000046  }
0xb2: {  	s29 =	simm.s32 $0x9;
	_ =	strace $0x80000048  }
0xb3: {  	_ =	swait.ge [sflag:s29], $0x1  }
0xb4: {  	[sflag:s29] =	ssyncadd.s32 $0xFFFFFFFF  }
0xb5: {  	_ =	strace $0x90000048  }
0xb6: {  	_ =	sfence  }
0xb7: {  	s30 =	sld [smem:$0x0];
	_ =	sdelay $0x2  }
0xb8: {  	s31 =	sshll.u32 s1, $0xD;
	s1 =	sshrl.u32 s1, $0x2  }
0xb9: {  	s3 =	sand.u32 $0x4000, s31;
	s1 =	sadd.s32 s1, s30  }
0xba: {  	s0 =	sor.u32 s3, s0;
	s1 =	sshll.u32 s1, $0x11  }
0xbb: {  	s0 =	sor.u32 s1, s0  }
0xbc: {  	s0 =	sadd.s32 $0x8F2B, s0  }
0xbd: {  	[sflag:s0] =	ssyncadd.remote.s32 $0x1  }
0xbe: {  	_ =	sfence.sel $0xFFFF  }
0xbf: {  	[dreg:$0x0] =	wrdreg $0xFFFFFFFF;
	(pc) =	sbr.abs _section_cstart, $3  }
0xc0: {  	[dreg:$0x1] =	wrdreg $0xFFFFFFFF  }
0xc1: {  	_ =	task.clear_ibuf [dreg:s7], $0x2FFFF;
	_ =	strace $0x9FFFFFFF  }
0xc2: {  	(tm) =	ssettm $0x7FFFFFFF  }
0xc3: {  	_ =	shalt  }
tec
execute0_lowered:
.L_overlay_start_1:
0x0: {  	(tag) =	ssettag $0x1  }
0x1: {  	s3 =	rddreg [dreg:$0x0]  }
0x2: {  	s9 =	rddreg [dreg:$0x1]  }
0x3: {  	s0 =	rddreg [dreg:$0x2]  }
0x4: {  	s2 =	simm.s32 $0x0;
	s1 =	stileid.u32;
	s4 =	srdreg.scid  }
0x5: {  	s13 =	simm.s32 $0x1;
	s14 =	simm.s32 $0x1000;
	s15 =	simm.s32 $0x2000  }
0x6: {  	s16 =	simm.s32 $0x3000;
	s17 =	simm.s32 $0x3100;
	s18 =	simm.s32 $0x3200  }
0x7: {  	s19 =	simm.s32 $0x3300;
	s20 =	simm.s32 $0x0;
	[smem:$0x7FF] =	sst s2  }
0x8: {  	s4 =	sand.u32 $0x1, s4;
	s5 =	sshll.u32 s1, $0x8;
	s6 =	sshrl.u32 s1, $0x2  }
0x9: {  	s8 =	sshll.u32 s1, $0x3;
	s7 =	sshll.u32 s4, $0x7;
	s5 =	sand.u32 $0x300, s5  }
0xa: {  	_ =	strace $0x80000047;
	s30 =	sshll.u32 s6, $0xB;
	s4 =	ssub.s32 $0x2, s4  }
0xb: {  	s8 =	sand.u32 $0x70, s8;
	s12 =	sshll.u32 s6, $0x10;
	s7 =	sor.u32 s7, s5  }
0xc: {  	s10 =	sshrl.u32 s4, $0x1;
	s8 =	sadd.s32 s8, s3;
	s5 =	sor.u32 s30, s7  }
0xd: {  	s10 =	ssub.s32 s4, s10;
	s4 =	sadd.s32 $0x2400, s8;
	s12 =	sor.u32 s12, s7  }
0xe: {  	s5 =	sshrl.u32 s5, $0x3;
	s31 =	sshrl.u32 s12, $0x3;
	s10 =	smax.u32 s10, $0x1  }
0xf: {  	s12 =	simm.s32 $0x400;
	s11 =	sadd.s32 s5, s3;
	s3 =	sadd.s32 $0x3400, s8  }
0x10: {  	v0 =	vimm.s32 $0x1;
	v1 =	vlaneseq.u32;
	s5 =	sadd.s32 $0x1400, s8;
	s9 =	sadd.s32 s9, s31;
	s6 =	sadd.s32 $0x1000, s11  }
0x11: {  	v2 =	vadd.s32 $0x1, v1;
	v3 =	vadd.s32 $0x11, v1;
	v4 =	vor.u32 $0x10, v1;
	s7 =	sadd.s32 $0xC00, s11;
	s8 =	sadd.s32 $0x800, s11;
	s11 =	simm.s32 $0x80  }
.LBB2_1:
0x12: {  	[tilespmem:s2], [sflag:$0x1] =	stream.strided.gather [hbm4b:s3+s11], $0x1000, s12, s11, $0x38;
	[tilespmem:$0x6300] =	vst v63  }
0x13: {  	_ =	swait.ge [sflag:s13], $0x1000  }
0x14: {  	[sflag:s13] =	ssyncset.done $0x0  }
0x15: {  	[sflag:s13] =	ssyncadd.s32 $0xFFFFF000  }
0x16: {  	[tilespmem:s14], [sflag:$0x1] =	stream.strided.gather [hbm4b:s4+s11], $0x1000, s12, s11, $0x38;
	[tilespmem:$0x6300] =	vst v63  }
0x17: {  	_ =	swait.ge [sflag:s13], $0x1000  }
0x18: {  	[sflag:s13] =	ssyncset.done $0x0  }
0x19: {  	[sflag:s13] =	ssyncadd.s32 $0xFFFFF000  }
0x1a: {  	[tilespmem:s15], [sflag:$0x1] =	stream.strided.gather [hbm4b:s5+s11], $0x1000, s12, s11, $0x38;
	[tilespmem:$0x6300] =	vst v63  }
0x1b: {  	_ =	swait.ge [sflag:s13], $0x1000  }
0x1c: {  	[sflag:s13] =	ssyncset.done $0x0  }
0x1d: {  	[sflag:s13] =	ssyncadd.s32 $0xFFFFF000  }
0x1e: {  	[tilespmem:s16], [sflag:$0x1] =	stream.strided.gather [hbm4b:s6+s11], $0x100, s12, s11, $0x38;
	[tilespmem:$0x6300] =	vst v63  }
0x1f: {  	_ =	swait.ge [sflag:s13], $0x100  }
0x20: {  	[sflag:s13] =	ssyncset.done $0x0  }
0x21: {  	[sflag:s13] =	ssyncadd.s32 $0xFFFFFF00  }
0x22: {  	[tilespmem:s17], [sflag:$0x1] =	stream.strided.gather [hbm4b:s7+s11], $0x100, s12, s11, $0x38;
	[tilespmem:$0x6300] =	vst v63  }
0x23: {  	_ =	swait.ge [sflag:s13], $0x100  }
0x24: {  	[sflag:s13] =	ssyncset.done $0x0  }
0x25: {  	[sflag:s13] =	ssyncadd.s32 $0xFFFFFF00  }
0x26: {  	[tilespmem:s18], [sflag:$0x1] =	stream.strided.gather [hbm4b:s8+s11], $0x100, s12, s11, $0x38;
	[tilespmem:$0x6300] =	vst v63  }
0x27: {  	_ =	swait.ge [sflag:s13], $0x100  }
0x28: {  	[sflag:s13] =	ssyncset.done $0x0  }
0x29: {  	s21 =	simm.s32 $0x0;
	[sflag:s13] =	ssyncadd.s32 $0xFFFFFF00  }
0x2a: {  	v5 =	vld [tilespmem:s21+$0x0];
	_ =	sdelay $0x1  }
0x2b: {  	v6 =	vld [tilespmem:s21+$0x1000]  }
0x2c: {  	v7 =	vld [tilespmem:s21+$0x2000];
	_ =	sdelay $0x1  }
0x2d: {  	v8 =	vshrl.u32 v5, $0x10  }
0x2e: {  	v8 =	vand.u32 $0x1, v8  }
0x2f: {  	v9 =	vmul.f32 v5, v5;
	v10 =	vshrl.u32 v6, $0x10;
	v5 =	vadd.s32 v8, v5  }
0x30: {  	v8 =	vand.u32 $0x1, v10;
	v10 =	vshrl.u32 v7, $0x10;
	v5 =	vadd.s32 $0x7FFF, v5  }
0x31: {  	v8 =	vadd.s32 v8, v6;
	v10 =	vand.u32 $0x1, v10;
	v6 =	vmul.f32 v6, v6  }
0x32: {  	v5 =	vand.u32 $0xFFFF0000, v5;
	v8 =	vadd.s32 $0x7FFF, v8;
	v10 =	vadd.s32 v10, v7  }
0x33: {  	s22 =	simm.s32 $0x10;
	[tilespmem:s21+$0x0] =	vst v5;
	v8 =	vand.u32 $0xFFFF0000, v8;
	v10 =	vadd.s32 $0x7FFF, v10  }
0x34: {  	s23 =	simm.s32 $0x80;
	v7 =	vmul.f32 v7, v7;
	v6 =	vadd.f32 v6, v9;
	v5 =	vld [tilespmem:s22+$0x0];
	[tilespmem:s21+$0x1000] =	vst v8;
	v8 =	vand.u32 $0xFFFF0000, v10  }
.LBB2_2:
0x35: {  	p0 =	sne.s32 s23, $0x3FC0;
	v9 =	vld [tilespmem:s22+$0x1000];
	[tilespmem:s21+$0x2000] =	vst v8  }
0x36: {  	v8 =	vld [tilespmem:s22+$0x2000];
	v6 =	vadd.f32 v7, v6;
	_ =	sdelay $0x1  }
0x37: {  	[tilespmem:s21+$0x5300] =	vst v6;
	s21 =	smov.u32 s22  }
0x38: {  	v6 =	vmul.f32 v5, v5;
	v7 =	vshrl.u32 v5, $0x10  }
0x39: {  	v10 =	vmul.f32 v9, v9;
	v7 =	vand.u32 $0x1, v7;
	v11 =	vshrl.u32 v9, $0x10  }
.Ltmp0:
0x3a: {  	v5 =	vadd.s32 v7, v5;
	v7 =	vand.u32 $0x1, v11;
	v11 =	vshrl.u32 v8, $0x10;
	(pc) =	sbr.rel @p0 .LBB2_2-.Ltmp0, $4  }
0x3b: {  	v5 =	vadd.s32 $0x7FFF, v5;
	v7 =	vadd.s32 v7, v9;
	v9 =	vand.u32 $0x1, v11  }
0x3c: {  	v5 =	vand.u32 $0xFFFF0000, v5;
	v7 =	vadd.s32 $0x7FFF, v7;
	v9 =	vadd.s32 v9, v8  }
0x3d: {  	s22 =	sshra.s32 s23, $0x2;
	v6 =	vadd.f32 v10, v6;
	[tilespmem:s21+$0x0] =	vst v5;
	v10 =	vand.u32 $0xFFFF0000, v7;
	v9 =	vadd.s32 $0x7FFF, v9  }
0x3e: {  	s23 =	sadd.s32 $0x40, s23;
	v7 =	vmul.f32 v8, v8;
	v5 =	vld [tilespmem:s22+$0x0];
	[tilespmem:s21+$0x1000] =	vst v10;
	v8 =	vand.u32 $0xFFFF0000, v9  }
0x3f: {  	v9 =	vld [tilespmem:s22+$0x1000]  }
0x40: {  	[tilespmem:s21+$0x2000] =	vst v8  }
0x41: {  	v8 =	vld [tilespmem:s22+$0x2000];
	_ =	sdelay $0x1  }
0x42: {  	v6 =	vadd.f32 v7, v6;
	v7 =	vshrl.u32 v5, $0x10  }
0x43: {  	v10 =	vmul.f32 v5, v5;
	v7 =	vand.u32 $0x1, v7;
	v11 =	vshrl.u32 v9, $0x10  }
0x44: {  	v5 =	vadd.s32 v7, v5;
	v7 =	vmul.f32 v9, v9;
	v11 =	vand.u32 $0x1, v11  }
0x45: {  	v63 =	vshrl.u32 v8, $0x10;
	v9 =	vadd.s32 v11, v9;
	v5 =	vadd.s32 $0x7FFF, v5  }
0x46: {  	v11 =	vand.u32 $0x1, v63;
	v5 =	vand.u32 $0xFFFF0000, v5;
	v9 =	vadd.s32 $0x7FFF, v9  }
0x47: {  	[tilespmem:s21+$0x5300] =	vst v6;
	v6 =	vadd.s32 v11, v8;
	v7 =	vadd.f32 v7, v10;
	v8 =	vmul.f32 v8, v8  }
0x48: {  	[tilespmem:s22+$0x0] =	vst v5;
	v5 =	vand.u32 $0xFFFF0000, v9;
	v6 =	vadd.s32 $0x7FFF, v6  }
0x49: {  	[tilespmem:s22+$0x1000] =	vst v5;
	v5 =	vand.u32 $0xFFFF0000, v6;
	v6 =	vadd.f32 v8, v7  }
0x4a: {  	[tilespmem:s22+$0x2000] =	vst v5  }
0x4b: {  	s21 =	simm.s32 $0x0;
	[tilespmem:s22+$0x5300] =	vst v6  }
.LBB2_4:
0x4c: {  	v5 =	vmov s21;
	_ =	sdelay $0x4  }
0x4d: {  	v6 =	vld.idx.msk [tilespmem:v5+s16+$0x0], $0xffff  }
0x4e: {  	v7 =	vld.idx.msk [tilespmem:v5+s17+$0x0], $0xffff;
	_ =	sdelay $0x1  }
0x4f: {  	v8 =	vld.idx.msk [tilespmem:v5+s18+$0x0], $0xffff;
	_ =	sdelay $0x2  }
0x50: {  	v5 =	vmul.f32 v6, v6;
	v9 =	vmul.f32 v7, v7;
	_ =	sdelay $0x1  }
0x51: {  	v5 =	vadd.f32 v9, v5;
	v9 =	vmul.f32 v8, v8;
	_ =	sdelay $0x1  }
0x52: {  	v10 =	vshrl.u32 v7, $0x10;
	v5 =	vadd.f32 v9, v5;
	v9 =	vshrl.u32 v6, $0x10  }
0x53: {  	v11 =	vshrl.u32 v8, $0x10;
	v10 =	vand.u32 $0x1, v10;
	v9 =	vand.u32 $0x1, v9  }
0x54: {  	v7 =	vadd.s32 v10, v7;
	v6 =	vadd.s32 v9, v6;
	v9 =	vand.u32 $0x1, v11  }
0x55: {  	s25 =	sshll.u32 s21, $0x5;
	v10 =	vimm.s32 $0x0;
	v7 =	vadd.s32 $0x7FFF, v7;
	v8 =	vadd.s32 v9, v8  }
0x56: {  	s22 =	simm.s32 $0x5320;
	s23 =	simm.s32 $0x20;
	s24 =	simm.s32 $0x1020;
	v7 =	vand.u32 $0xFFFF0000, v7;
	v6 =	vadd.s32 $0x7FFF, v6;
	v8 =	vadd.s32 $0x7FFF, v8  }
0x57: {  	s26 =	simm.s32 $0x0;
	s28 =	simm.s32 $0x0;
	v6 =	vand.u32 $0xFFFF0000, v6;
	v9 =	vand.u32 $0xFFFF0000, v8;
	v8 =	vmov s25;
	s25 =	simm.s32 $0x2020  }
.LBB2_5:
0x58: {  	v11 =	vld [tilespmem:s23+$0xFFFFFFE0]  }
0x59: {  	v12 =	vld [tilespmem:s24+$0xFFFFFFE0]  }
0x5a: {  	v13 =	vld [tilespmem:s25+$0xFFFFFFE0]  }
0x5b: {  	v14 =	vld [tilespmem:s22+$0xFFFFFFE0]  }
0x5c: {  	v15 =	vld [tilespmem:s23+$0xFFFFFFF0]  }
0x5d: {  	v16 =	vld [tilespmem:s24+$0xFFFFFFF0]  }
0x5e: {  	v17 =	vld [tilespmem:s25+$0xFFFFFFF0]  }
0x5f: {  	v18 =	vld [tilespmem:s23+$0x0]  }
0x60: {  	v19 =	vld [tilespmem:s24+$0x0]  }
0x61: {  	v20 =	vld [tilespmem:s23+$0x10]  }
0x62: {  	v43 =	vld [tilespmem:s24+$0x10]  }
0x63: {  	v21 =	vld [tilespmem:s22+$0xFFFFFFF0]  }
0x64: {  	v48 =	vld [tilespmem:s22+$0x0];
	v11 =	vmul.f32 v6, v11;
	v12 =	vmul.f32 v7, v12  }
0x65: {  	v44 =	vld [tilespmem:s25+$0x0];
	(v2sf) =	vpush v10, $0x0;
	v42 =	vmul.f32 v9, v13;
	v15 =	vmul.f32 v6, v15  }
0x66: {  	v46 =	vld [tilespmem:s25+$0x10];
	v16 =	vmul.f32 v7, v16;
	v45 =	vmul.f32 v9, v17;
	v11 =	vadd.f32 v12, v11  }
0x67: {  	v14 =	vadd.f32 v14, v5;
	v18 =	vmul.f32 v6, v18;
	v19 =	vmul.f32 v7, v19  }
0x68: {  	v20 =	vmul.f32 v6, v20;
	v51 =	vadd.f32 v21, v5;
	v11 =	vadd.f32 v42, v11  }
0x69: {  	v50 =	vld [tilespmem:s22+$0x10];
	v13 =	vmul.f32 v7, v43;
	v52 =	vadd.f32 v48, v5;
	v15 =	vadd.f32 v16, v15  }
0x6a: {  	v49 =	vadd.f32 v19, v18;
	v12 =	vmul.f32 v9, v44;
	v11 =	vadd.f32 v11, v11  }
0x6b: {  	v17 =	vmul.f32 v9, v46;
	v13 =	vadd.f32 v13, v20;
	v47 =	vadd.f32 v45, v15  }
0x6c: {  	v12 =	vadd.f32 v12, v49;
	v11 =	vsub.f32 v14, v11  }
0x6d: {  	v13 =	vadd.f32 v17, v13;
	v14 =	vadd.f32 v47, v47  }
0x6e: {  	v53 =	vadd.f32 v50, v5;
	v12 =	vadd.f32 v12, v12;
	vm1 =	vlt.f32 v11, $3.999999910e-02  }
0x6f: {  	v13 =	vadd.f32 v13, v13;
	v11 =	vsub.f32 v51, v14;
	(xrf0) =	vadd.scan.msk.s32 vm1, v0;
	_ =	sdelay $0x1  }
0x70: {  	v12 =	vsub.f32 v52, v12;
	vm2 =	vlt.f32 v11, $3.999999910e-02;
	v11 =	vsub.f32 v53, v13;
	_ =	sdelay $0x1  }
0x71: {  	vm3 =	vlt.f32 v12, $3.999999910e-02;
	(xrf0) =	vadd.scan.msk.s32 vm2, v0  }
0x72: {  	vm0 =	vlt.f32 v11, $3.999999910e-02;
	(xrf0) =	vadd.scan.msk.s32 vm3, v0  }
0x73: {  	v11, _, _ =	vpop (xrf0);
	(xrf0) =	vadd.scan.msk.s32 vm0, v0;
	_ =	sdelay $0x1  }
0x74: {  	v54 =	vmpcnt.ones.xlane vm1;
	v11 =	vadd.s32 v11, v10  }
0x75: {  	v57 =	vmpcnt.ones.xlane vm3;
	v55 =	vmpcnt.ones.xlane vm2;
	v11 =	vadd.s32 $0xFFFFFFFF, v11  }
0x76: {  	v10 =	vadd.s32 v10, v54;
	v56, _, _ =	vpop (xrf0);
	vm4 =	vlt.s32 v11, $0x20;
	v11 =	vadd.s32 v8, v11  }
0x77: {  	v58, _, _ =	vpop (xrf0);
	v14 =	vadd.s32 v10, v56;
	v10 =	vadd.s32 v10, v55;
	vm1 =	vmand vm1, vm4  }
0x78: {  	v59 =	vadd.s32 $0xFFFFFFFF, v14;
	v60 =	vadd.s32 v10, v58;
	v10 =	vadd.s32 v10, v57;
	v61, _, _ =	vpop (xrf0)  }
0x79: {  	vm13 =	vlt.s32 v59, $0x20;
	v14 =	vadd.s32 $0xFFFFFFFF, v60;
	v12 =	vadd.s32 v10, v61  }
0x7a: {  	vm2 =	vmand vm2, vm13;
	vm14 =	vlt.s32 v14, $0x20;
	v12 =	vadd.s32 $0xFFFFFFFF, v12  }
0x7b: {  	p0 =	sgt.u32 s28, $0xFB;
	s30 =	spop (v2sf);
	v13 =	vadd.s32 v8, v59;
	vm3 =	vmand vm3, vm14;
	vm15 =	vlt.s32 v12, $0x20  }
0x7c: {  	p1 =	slt.s32 @!p0 s30, $0x20;
	v14 =	vadd.s32 v8, v14;
	vm4 =	vmand vm0, vm15  }
0x7d: {  	p0 =	por p0, !p1;
	v12 =	vadd.s32 v8, v12  }
.Ltmp1:
0x7e: {  	s29 =	sadd.s32 $0x10, s26;
	v62 =	vor.u32 s26, v1;
	(pc) =	sbr.rel @!p0 .LBB2_5-.Ltmp1, $4  }
0x7f: {  	s31 =	sadd.s32 $0x20, s26;
	[tilespmem:v11+s19+$0x0] =	vst.idx.msk vm1, v62;
	v11 =	vor.u32 s29, v1  }
0x80: {  	v63 =	vmpcnt.ones.xlane vm0;
	s29 =	sadd.s32 $0x30, s26;
	[tilespmem:v13+s19+$0x0] =	vst.idx.msk vm2, v11;
	v11 =	vor.u32 s31, v1  }
0x81: {  	s28 =	sadd.s32 $0x4, s28;
	s22 =	sadd.s32 $0x40, s22;
	s23 =	sadd.s32 $0x40, s23;
	[tilespmem:v14+s19+$0x0] =	vst.idx.msk vm3, v11;
	v11 =	vor.u32 s29, v1  }
0x82: {  	s24 =	sadd.s32 $0x40, s24;
	s25 =	sadd.s32 $0x40, s25;
	v10 =	vadd.s32 v10, v63;
	s26 =	sadd.s32 $0x40, s26;
	[tilespmem:v12+s19+$0x0] =	vst.idx.msk vm4, v11  }
0x83: {  	_ =	sdelay $0x3  }
0x84: {  	v5 =	vld.idx.msk [tilespmem:v8+s19+$0x0], $0xffff;
	vm0 =	vlt.s32 v10, v2  }
0x85: {  	v6 =	vor.u32 v1, v8;
	vm1 =	vlt.s32 v10, v3;
	s21 =	sadd.s32 $0x1, s21  }
0x86: {  	v7 =	vor.u32 v4, v8;
	p0 =	sne.s32 s21, $0x100  }
.Ltmp2:
0x87: {  	_ = 	snop;
	(pc) =	sbr.rel @p0 .LBB2_4-.Ltmp2, $4  }
0x88: {  	vm2 =	vgt.s32 v10, $0x0  }
0x89: {  	v5 =	vnsel vm2, $0x0, v5  }
0x8a: {  	[tilespmem:v6+s19+$0x0] =	vst.idx.msk vm0, v5  }
0x8b: {  	[tilespmem:v7+s19+$0x0] =	vst.idx.msk vm1, v5  }
0x8c: {  	s20 =	sadd.s32 $0x1, s20  }
0x8d: {  	p0 =	sne.s32 s20, s10  }
.Ltmp3:
0x8e: {  	_ = 	snop;
	(pc) =	sbr.rel @p0 .LBB2_1-.Ltmp3, $4  }
0x8f: {  	[hbm4b:s9+s11] =	stream.strided.scatter [tilespmem:s19], [sflag:$0x1], $0x2000, s12, s11, $0x38;
	[tilespmem:$0x6300] =	vst v63  }
0x90: {  	_ =	swait.ge [sflag:s13], $0x2000  }
0x91: {  	[sflag:s13] =	ssyncset.done $0x0  }
0x92: {  	[sflag:s13] =	ssyncadd.s32 $0xFFFFE000  }
0x93: {  	_ =	sfence.sel $0x180000  }
0x94: {  	[bflag:$0x0] =	sbarrier.arrive $0xFFFF  }
0x95: {  	p0 =	sne.s32 s1, $0x0;
	_ =	strace $0x90000047  }
0x96: {  	s0 =	sadd.s32 @!p0 $0x100000, s0;
	[bflag:$0x2] =	sbarrier.arrive $0xFFFF  }
0x97: {  	[sflag:s0] =	ssyncadd.tile.s32 @!p0 $0x1;
	_ =	shalt  }
.Lfunc_end2:
_tile_overlayer_lowered:
.L_overlay_start_2:
0x98: {  	(tag) =	ssettag $0x2  }
0x99: {  	s0 =	rddreg [dreg:$0x0];
	s2 =	stileid.u32  }
0x9a: {  	s1 =	rddreg [dreg:$0x1];
	p0 =	sne.s32 s2, $0x0  }
0x9b: {  	s3 =	rddreg [dreg:$0x2];
	[bflag:$0x3] =	sbarrier.arrive $0xFFFF;
	s2 =	simm.s32 @!p0 $0x1C01  }
0x9c: {  	[timem:s3], [sflag:s2] =	dma.local @!p0 [hbm:s0], s1  }
0x9d: {  	s0 =	simm.s32 @!p0 $0x1  }
0x9e: {  	_ =	swait.ge @!p0 [sflag:s0], s1  }
0x9f: {  	s1 =	ssub.s32 @!p0 $0x0, s1;
	[sflag:s0] =	ssyncset.done @!p0 $0x0  }
0xa0: {  	[sflag:s0] =	ssyncadd.s32 @!p0 s1  }
0xa1: {  	[bflag:$0x3] =	sbarrier.arrive $0xFFFF  }
0xa2: {  	_ =	shalt  }

</sc_bundles>
